<compile_context>
chip_gen: v7x
topology: tpu7x:2x2x1
jax: 0.10.2.dev20260603
libtpu: 0.0.44.dev20260713+nightly
codegen_flags: <defaults>
</compile_context>

<pallas_src>
import functools

import jax
import jax.numpy as jnp
from jax import lax
from jax.experimental import pallas as pl
from jax.experimental.pallas import tpu as pltpu
from jax.experimental.pallas import tpu_sc as plsc

LANES = 16
N_WORKERS = 32


def _gather_el(*, n_attr, batch, d, v):
    b_per_w = batch // N_WORKERS
    per_w = b_per_w * n_attr

    mesh = plsc.VectorSubcoreMesh(core_axis_name="c", subcore_axis_name="s")

    @functools.partial(
        pl.kernel,
        mesh=mesh,
        compiler_params=pltpu.CompilerParams(use_tc_tiling_on_sc=False,
                                             needs_layout_passes=False),
        out_type=jax.ShapeDtypeStruct((n_attr * d, batch), jnp.float32),
        scratch_types=[
            pltpu.VMEM((per_w,), jnp.int32),
            pltpu.VMEM((b_per_w,), jnp.int32),
            pltpu.VMEM((d, b_per_w), jnp.float32),
            pltpu.SemaphoreType.DMA,
            pltpu.SemaphoreType.DMA,
        ],
    )
    def k(x_hbm, wt_hbm, out_hbm, xv, vcol, colb, gsem, wsem):
        wid = lax.axis_index("s") * 2 + lax.axis_index("c")
        pltpu.sync_copy(x_hbm.at[pl.ds(wid * per_w, per_w)], xv)
        lane = lax.iota(jnp.int32, LANES) * n_attr

        def attr_body(a, carry):
            for c in range(b_per_w // LANES):
                vv = plsc.load_gather(xv, [lane + (c * LANES * n_attr + a)])
                vcol[pl.ds(c * LANES, LANES)] = vv
            gathers = []
            for dd in range(d):
                base = pl.multiple_of((a * d + dd) * v, 8)
                gathers.append(
                    pltpu.async_copy(wt_hbm.at[pl.ds(base, v)].at[vcol],
                                     colb.at[dd], gsem))
            for g in gathers:
                g.wait()
            row0 = pl.multiple_of(a * d, 8)
            pltpu.async_copy(colb,
                             out_hbm.at[pl.ds(row0, d),
                                        pl.ds(wid * b_per_w, b_per_w)],
                             wsem).wait()
            return carry

        lax.fori_loop(0, n_attr, attr_body, 0)

    return k


def kernel(x, W):
    n_attr, v, d = W.shape
    x = x[:, x.shape[1] - n_attr:]
    batch = x.shape[0]
    xf = x.reshape(batch * n_attr).astype(jnp.int32)
    wt = jnp.transpose(W, (0, 2, 1)).reshape(n_attr * d * v)
    out_t = _gather_el(n_attr=n_attr, batch=batch, d=d, v=v)(xf, wt)
    return out_t.T.reshape(batch, n_attr * d)

# --- scband reference (transcript-rebuilt; emitter-appended) ---
"""Pipeline reference for scband-one-hot-encoder-2680059592834 (READ-ONLY COPY).

The authoritative reference and input builder live on the scoring server;
editing this copy changes nothing except your own understanding.
"""

import jax, jax.numpy as jnp
import numpy as np

N_ATTR = 26
INPUT_DIM = 100000
EMBED_DIM = 32
BATCH = 4096

def setup_inputs(seed: int = 0) -> dict:
    key = jax.random.key(seed)
    k1, k2 = jax.random.split(key)
    x = jax.random.randint(k1, (BATCH, N_ATTR), 0, INPUT_DIM, dtype=jnp.int64) if jax.config.jax_enable_x64 else jax.random.randint(k1, (BATCH, N_ATTR), 0, INPUT_DIM, dtype=jnp.int32)
    # stacked embedding tables: one (INPUT_DIM, EMBED_DIM) table per attribute
    W = jax.random.normal(k2, (N_ATTR, INPUT_DIM, EMBED_DIM), dtype=jnp.float32)
    return {"x": x, "W": W}

def reference(x, W):
    # Faithful translation of OneHotEncoder.forward
    n_attr = W.shape[0]
    x = x[:, x.shape[1] - n_attr:]
    embeds = []
    for i in range(n_attr):
        xi = x[:, i]
        mask = xi == -1
        xi_safe = jnp.where(mask, 0, xi)
        e = jnp.take(W[i], xi_safe, axis=0)
        e = jnp.where(mask[:, None], 0.0, e)
        embeds.append(e)
    return jnp.concatenate(embeds, axis=1)

if __name__ == "__main__":
    import jax
    _d = setup_inputs()
    print(jax.jit(kernel)(*tuple(_d.values())))

</pallas_src>

<mosaic_0001>
#map = affine_map<(d0, d1) -> (0)>
#map1 = affine_map<(d0, d1) -> (0, 0)>
module attributes {stable_mosaic.version = 14 : i64} {
  func.func @k(%arg0: i32, %arg1: i32, %arg2: memref<106496xi32, #tpu.memory_space<hbm>>, %arg3: memref<83200000xf32, #tpu.memory_space<hbm>>, %arg4: memref<832x4096xf32, #tpu.memory_space<hbm>>, %arg5: memref<3328xi32, #tpu.memory_space<vmem>>, %arg6: memref<128xi32, #tpu.memory_space<vmem>>, %arg7: memref<32x128xf32, #tpu.memory_space<vmem>>, %arg8: memref<!tpu.dma_semaphore, #tpu.memory_space<semaphore_mem>>, %arg9: memref<!tpu.dma_semaphore, #tpu.memory_space<semaphore_mem>>) attributes {dimension_semantics = [#tpu.dimension_semantics<core_parallel>, #tpu.dimension_semantics<subcore_parallel>], iteration_bounds = array<i64: 2, 16>, scalar_prefetch = 0 : i64, scratch_operands = 5 : i64, tpu.core_type = #tpu.core_type<sc_vector_subcore>, window_params = [{transform_indices = #map}, {transform_indices = #map}, {transform_indices = #map1}]} {
    %mul3A = arith.constant 2 : i32
    %mul3A_0 = arith.muli %arg1, %mul3A : i32
    %add3A = arith.addi %mul3A_0, %arg0 : i32
    %mul3A_1 = arith.constant 3328 : i32
    %mul3A_2 = arith.muli %add3A, %mul3A_1 : i32
    "tpu.region"() ({
      %run_scoped3A = tpu.sem_alloc : memref<!tpu.dma_semaphore, #tpu.memory_space<semaphore_mem>>
      %dma_start3A = tpu.memref_slice %arg2[%mul3A_2] : memref<106496xi32, #tpu.memory_space<hbm>> -> memref<3328xi32, #tpu.memory_space<hbm>>
      %dma_start3A_11 = tpu.memref_slice %arg2[%mul3A_2] : memref<106496xi32, #tpu.memory_space<hbm>> -> memref<3328xi32, #tpu.memory_space<hbm>>
      tpu.enqueue_dma source(%dma_start3A_11 : memref<3328xi32, #tpu.memory_space<hbm>>) target(%arg5 : memref<3328xi32, #tpu.memory_space<vmem>>) target_semaphore(%run_scoped3A : memref<!tpu.dma_semaphore, #tpu.memory_space<semaphore_mem>>)
      %dma_wait3A = tpu.memref_slice %arg2[%mul3A_2] : memref<106496xi32, #tpu.memory_space<hbm>> -> memref<3328xi32, #tpu.memory_space<hbm>>
      %dma_wait3A_12 = tpu.memref_slice %arg2[%mul3A_2] : memref<106496xi32, #tpu.memory_space<hbm>> -> memref<3328xi32, #tpu.memory_space<hbm>>
      tpu.wait_dma2 semaphore(%run_scoped3A : memref<!tpu.dma_semaphore, #tpu.memory_space<semaphore_mem>>) src(%dma_wait3A_12 : memref<3328xi32, #tpu.memory_space<hbm>>) dst(%arg5 : memref<3328xi32, #tpu.memory_space<vmem>>)
      tpu.yield
    }) : () -> ()
    %iota3A = tpu.iota {dimensions = array<i32: 0>} : vector<16xi32>
    %mul3A_3 = arith.constant 26 : i32
    %mul3A_4 = vector.broadcast %mul3A_3 : i32 to vector<16xi32>
    %mul3A_5 = arith.muli %iota3A, %mul3A_4 : vector<16xi32>
    %scan3A = arith.constant 0 : i32
    %scan3A_6 = arith.constant 0 : i32
    %scan3A_7 = arith.constant 26 : i32
    %scan3A_8 = arith.addi %scan3A_6, %scan3A_7 : i32
    %scan3A_9 = arith.constant 1 : i32
    scf.for %scan3A_11 = %scan3A_6 to %scan3A_8 step %scan3A_9  : i32 {
      %add3A_12 = arith.constant 0 : i32
      %add3A_13 = arith.addi %add3A_12, %scan3A_11 : i32
      %add3A_14 = vector.broadcast %add3A_13 : i32 to vector<16xi32>
      %add3A_15 = arith.addi %mul3A_5, %add3A_14 : vector<16xi32>
      %gather3A = tpu.vector_load_idx %arg5[%add3A_15] : memref<3328xi32, #tpu.memory_space<vmem>>[vector<16xi32>], vector<16xi32>,
      %swap3A = arith.constant 0 : index
      %swap3A_16 = tpu.vector_load %arg6[%swap3A] {strides = array<i32>} : memref<128xi32, #tpu.memory_space<vmem>>, vector<16xi32>,
      tpu.vector_store %arg6[%swap3A], %gather3A {strides = array<i32>} : memref<128xi32, #tpu.memory_space<vmem>>, vector<16xi32>,
      %add3A_17 = arith.constant 416 : i32
      %add3A_18 = arith.addi %add3A_17, %scan3A_11 : i32
      %add3A_19 = vector.broadcast %add3A_18 : i32 to vector<16xi32>
      %add3A_20 = arith.addi %mul3A_5, %add3A_19 : vector<16xi32>
      %gather3A_21 = tpu.vector_load_idx %arg5[%add3A_20] : memref<3328xi32, #tpu.memory_space<vmem>>[vector<16xi32>], vector<16xi32>,
      %swap3A_22 = arith.constant 16 : index
      %swap3A_23 = tpu.vector_load %arg6[%swap3A_22] {strides = array<i32>} : memref<128xi32, #tpu.memory_space<vmem>>, vector<16xi32>,
      tpu.vector_store %arg6[%swap3A_22], %gather3A_21 {strides = array<i32>} : memref<128xi32, #tpu.memory_space<vmem>>, vector<16xi32>,
      %add3A_24 = arith.constant 832 : i32
      %add3A_25 = arith.addi %add3A_24, %scan3A_11 : i32
      %add3A_26 = vector.broadcast %add3A_25 : i32 to vector<16xi32>
      %add3A_27 = arith.addi %mul3A_5, %add3A_26 : vector<16xi32>
      %gather3A_28 = tpu.vector_load_idx %arg5[%add3A_27] : memref<3328xi32, #tpu.memory_space<vmem>>[vector<16xi32>], vector<16xi32>,
      %swap3A_29 = arith.constant 32 : index
      %swap3A_30 = tpu.vector_load %arg6[%swap3A_29] {strides = array<i32>} : memref<128xi32, #tpu.memory_space<vmem>>, vector<16xi32>,
      tpu.vector_store %arg6[%swap3A_29], %gather3A_28 {strides = array<i32>} : memref<128xi32, #tpu.memory_space<vmem>>, vector<16xi32>,
      %add3A_31 = arith.constant 1248 : i32
      %add3A_32 = arith.addi %add3A_31, %scan3A_11 : i32
      %add3A_33 = vector.broadcast %add3A_32 : i32 to vector<16xi32>
      %add3A_34 = arith.addi %mul3A_5, %add3A_33 : vector<16xi32>
      %gather3A_35 = tpu.vector_load_idx %arg5[%add3A_34] : memref<3328xi32, #tpu.memory_space<vmem>>[vector<16xi32>], vector<16xi32>,
      %swap3A_36 = arith.constant 48 : index
      %swap3A_37 = tpu.vector_load %arg6[%swap3A_36] {strides = array<i32>} : memref<128xi32, #tpu.memory_space<vmem>>, vector<16xi32>,
      tpu.vector_store %arg6[%swap3A_36], %gather3A_35 {strides = array<i32>} : memref<128xi32, #tpu.memory_space<vmem>>, vector<16xi32>,
      %add3A_38 = arith.constant 1664 : i32
      %add3A_39 = arith.addi %add3A_38, %scan3A_11 : i32
      %add3A_40 = vector.broadcast %add3A_39 : i32 to vector<16xi32>
      %add3A_41 = arith.addi %mul3A_5, %add3A_40 : vector<16xi32>
      %gather3A_42 = tpu.vector_load_idx %arg5[%add3A_41] : memref<3328xi32, #tpu.memory_space<vmem>>[vector<16xi32>], vector<16xi32>,
      %swap3A_43 = arith.constant 64 : index
      %swap3A_44 = tpu.vector_load %arg6[%swap3A_43] {strides = array<i32>} : memref<128xi32, #tpu.memory_space<vmem>>, vector<16xi32>,
      tpu.vector_store %arg6[%swap3A_43], %gather3A_42 {strides = array<i32>} : memref<128xi32, #tpu.memory_space<vmem>>, vector<16xi32>,
      %add3A_45 = arith.constant 2080 : i32
      %add3A_46 = arith.addi %add3A_45, %scan3A_11 : i32
      %add3A_47 = vector.broadcast %add3A_46 : i32 to vector<16xi32>
      %add3A_48 = arith.addi %mul3A_5, %add3A_47 : vector<16xi32>
      %gather3A_49 = tpu.vector_load_idx %arg5[%add3A_48] : memref<3328xi32, #tpu.memory_space<vmem>>[vector<16xi32>], vector<16xi32>,
      %swap3A_50 = arith.constant 80 : index
      %swap3A_51 = tpu.vector_load %arg6[%swap3A_50] {strides = array<i32>} : memref<128xi32, #tpu.memory_space<vmem>>, vector<16xi32>,
      tpu.vector_store %arg6[%swap3A_50], %gather3A_49 {strides = array<i32>} : memref<128xi32, #tpu.memory_space<vmem>>, vector<16xi32>,
      %add3A_52 = arith.constant 2496 : i32
      %add3A_53 = arith.addi %add3A_52, %scan3A_11 : i32
      %add3A_54 = vector.broadcast %add3A_53 : i32 to vector<16xi32>
      %add3A_55 = arith.addi %mul3A_5, %add3A_54 : vector<16xi32>
      %gather3A_56 = tpu.vector_load_idx %arg5[%add3A_55] : memref<3328xi32, #tpu.memory_space<vmem>>[vector<16xi32>], vector<16xi32>,
      %swap3A_57 = arith.constant 96 : index
      %swap3A_58 = tpu.vector_load %arg6[%swap3A_57] {strides = array<i32>} : memref<128xi32, #tpu.memory_space<vmem>>, vector<16xi32>,
      tpu.vector_store %arg6[%swap3A_57], %gather3A_56 {strides = array<i32>} : memref<128xi32, #tpu.memory_space<vmem>>, vector<16xi32>,
      %add3A_59 = arith.constant 2912 : i32
      %add3A_60 = arith.addi %add3A_59, %scan3A_11 : i32
      %add3A_61 = vector.broadcast %add3A_60 : i32 to vector<16xi32>
      %add3A_62 = arith.addi %mul3A_5, %add3A_61 : vector<16xi32>
      %gather3A_63 = tpu.vector_load_idx %arg5[%add3A_62] : memref<3328xi32, #tpu.memory_space<vmem>>[vector<16xi32>], vector<16xi32>,
      %swap3A_64 = arith.constant 112 : index
      %swap3A_65 = tpu.vector_load %arg6[%swap3A_64] {strides = array<i32>} : memref<128xi32, #tpu.memory_space<vmem>>, vector<16xi32>,
      tpu.vector_store %arg6[%swap3A_64], %gather3A_63 {strides = array<i32>} : memref<128xi32, #tpu.memory_space<vmem>>, vector<16xi32>,
      %mul3A_66 = arith.constant 32 : i32
      %mul3A_67 = arith.muli %scan3A_11, %mul3A_66 : i32
      %add3A_68 = arith.constant 0 : i32
      %add3A_69 = arith.addi %mul3A_67, %add3A_68 : i32
      %mul3A_70 = arith.constant 100000 : i32
      %mul3A_71 = arith.muli %add3A_69, %mul3A_70 : i32
      %multiple_of3A = tpu.assume_multiple %mul3A_71, 8 : i32
      %dma_start3A = arith.constant 0 : i32
      %dma_start3A_72 = arith.constant 0 : i32
      %dma_start3A_73 = tpu.memref_slice %arg7[%dma_start3A, %dma_start3A_72] : memref<32x128xf32, #tpu.memory_space<vmem>> -> memref<1x128xf32, #tpu.memory_space<vmem>>
      %dma_start3A_74 = tpu.memref_squeeze %dma_start3A_73 : memref<1x128xf32, #tpu.memory_space<vmem>> -> memref<128xf32, #tpu.memory_space<vmem>>
      %dma_start3A_75 = tpu.memref_slice %arg3[%multiple_of3A] : memref<83200000xf32, #tpu.memory_space<hbm>> -> memref<100000xf32, #tpu.memory_space<hbm>>
      %dma_start3A_76 = arith.constant 0 : i32
      %dma_start3A_77 = tpu.memref_slice %dma_start3A_75[%dma_start3A_76] : memref<100000xf32, #tpu.memory_space<hbm>> -> memref<100000xf32, #tpu.memory_space<hbm>>
      tpu.enqueue_indirect_dma source(%dma_start3A_77 : memref<100000xf32, #tpu.memory_space<hbm>>) target(%dma_start3A_74 : memref<128xf32, #tpu.memory_space<vmem>>) offsets(%arg6 : memref<128xi32, #tpu.memory_space<vmem>>) semaphore(%arg8 : memref<!tpu.dma_semaphore, #tpu.memory_space<semaphore_mem>>)
      %mul3A_78 = arith.constant 32 : i32
      %mul3A_79 = arith.muli %scan3A_11, %mul3A_78 : i32
      %add3A_80 = arith.constant 1 : i32
      %add3A_81 = arith.addi %mul3A_79, %add3A_80 : i32
      %mul3A_82 = arith.constant 100000 : i32
      %mul3A_83 = arith.muli %add3A_81, %mul3A_82 : i32
      %multiple_of3A_84 = tpu.assume_multiple %mul3A_83, 8 : i32
      %dma_start3A_85 = arith.constant 1 : i32
      %dma_start3A_86 = arith.constant 0 : i32
      %dma_start3A_87 = tpu.memref_slice %arg7[%dma_start3A_85, %dma_start3A_86] : memref<32x128xf32, #tpu.memory_space<vmem>> -> memref<1x128xf32, #tpu.memory_space<vmem>>
      %dma_start3A_88 = tpu.memref_squeeze %dma_start3A_87 : memref<1x128xf32, #tpu.memory_space<vmem>> -> memref<128xf32, #tpu.memory_space<vmem>>
      %dma_start3A_89 = tpu.memref_slice %arg3[%multiple_of3A_84] : memref<83200000xf32, #tpu.memory_space<hbm>> -> memref<100000xf32, #tpu.memory_space<hbm>>
      %dma_start3A_90 = arith.constant 0 : i32
      %dma_start3A_91 = tpu.memref_slice %dma_start3A_89[%dma_start3A_90] : memref<100000xf32, #tpu.memory_space<hbm>> -> memref<100000xf32, #tpu.memory_space<hbm>>
      tpu.enqueue_indirect_dma source(%dma_start3A_91 : memref<100000xf32, #tpu.memory_space<hbm>>) target(%dma_start3A_88 : memref<128xf32, #tpu.memory_space<vmem>>) offsets(%arg6 : memref<128xi32, #tpu.memory_space<vmem>>) semaphore(%arg8 : memref<!tpu.dma_semaphore, #tpu.memory_space<semaphore_mem>>)
      %mul3A_92 = arith.constant 32 : i32
      %mul3A_93 = arith.muli %scan3A_11, %mul3A_92 : i32
      %add3A_94 = arith.constant 2 : i32
      %add3A_95 = arith.addi %mul3A_93, %add3A_94 : i32
      %mul3A_96 = arith.constant 100000 : i32
      %mul3A_97 = arith.muli %add3A_95, %mul3A_96 : i32
      %multiple_of3A_98 = tpu.assume_multiple %mul3A_97, 8 : i32
      %dma_start3A_99 = arith.constant 2 : i32
      %dma_start3A_100 = arith.constant 0 : i32
      %dma_start3A_101 = tpu.memref_slice %arg7[%dma_start3A_99, %dma_start3A_100] : memref<32x128xf32, #tpu.memory_space<vmem>> -> memref<1x128xf32, #tpu.memory_space<vmem>>
      %dma_start3A_102 = tpu.memref_squeeze %dma_start3A_101 : memref<1x128xf32, #tpu.memory_space<vmem>> -> memref<128xf32, #tpu.memory_space<vmem>>
      %dma_start3A_103 = tpu.memref_slice %arg3[%multiple_of3A_98] : memref<83200000xf32, #tpu.memory_space<hbm>> -> memref<100000xf32, #tpu.memory_space<hbm>>
      %dma_start3A_104 = arith.constant 0 : i32
      %dma_start3A_105 = tpu.memref_slice %dma_start3A_103[%dma_start3A_104] : memref<100000xf32, #tpu.memory_space<hbm>> -> memref<100000xf32, #tpu.memory_space<hbm>>
      tpu.enqueue_indirect_dma source(%dma_start3A_105 : memref<100000xf32, #tpu.memory_space<hbm>>) target(%dma_start3A_102 : memref<128xf32, #tpu.memory_space<vmem>>) offsets(%arg6 : memref<128xi32, #tpu.memory_space<vmem>>) semaphore(%arg8 : memref<!tpu.dma_semaphore, #tpu.memory_space<semaphore_mem>>)
      %mul3A_106 = arith.constant 32 : i32
      %mul3A_107 = arith.muli %scan3A_11, %mul3A_106 : i32
      %add3A_108 = arith.constant 3 : i32
      %add3A_109 = arith.addi %mul3A_107, %add3A_108 : i32
      %mul3A_110 = arith.constant 100000 : i32
      %mul3A_111 = arith.muli %add3A_109, %mul3A_110 : i32
      %multiple_of3A_112 = tpu.assume_multiple %mul3A_111, 8 : i32
      %dma_start3A_113 = arith.constant 3 : i32
      %dma_start3A_114 = arith.constant 0 : i32
      %dma_start3A_115 = tpu.memref_slice %arg7[%dma_start3A_113, %dma_start3A_114] : memref<32x128xf32, #tpu.memory_space<vmem>> -> memref<1x128xf32, #tpu.memory_space<vmem>>
      %dma_start3A_116 = tpu.memref_squeeze %dma_start3A_115 : memref<1x128xf32, #tpu.memory_space<vmem>> -> memref<128xf32, #tpu.memory_space<vmem>>
      %dma_start3A_117 = tpu.memref_slice %arg3[%multiple_of3A_112] : memref<83200000xf32, #tpu.memory_space<hbm>> -> memref<100000xf32, #tpu.memory_space<hbm>>
      %dma_start3A_118 = arith.constant 0 : i32
      %dma_start3A_119 = tpu.memref_slice %dma_start3A_117[%dma_start3A_118] : memref<100000xf32, #tpu.memory_space<hbm>> -> memref<100000xf32, #tpu.memory_space<hbm>>
      tpu.enqueue_indirect_dma source(%dma_start3A_119 : memref<100000xf32, #tpu.memory_space<hbm>>) target(%dma_start3A_116 : memref<128xf32, #tpu.memory_space<vmem>>) offsets(%arg6 : memref<128xi32, #tpu.memory_space<vmem>>) semaphore(%arg8 : memref<!tpu.dma_semaphore, #tpu.memory_space<semaphore_mem>>)
      %mul3A_120 = arith.constant 32 : i32
      %mul3A_121 = arith.muli %scan3A_11, %mul3A_120 : i32
      %add3A_122 = arith.constant 4 : i32
      %add3A_123 = arith.addi %mul3A_121, %add3A_122 : i32
      %mul3A_124 = arith.constant 100000 : i32
      %mul3A_125 = arith.muli %add3A_123, %mul3A_124 : i32
      %multiple_of3A_126 = tpu.assume_multiple %mul3A_125, 8 : i32
      %dma_start3A_127 = arith.constant 4 : i32
      %dma_start3A_128 = arith.constant 0 : i32
      %dma_start3A_129 = tpu.memref_slice %arg7[%dma_start3A_127, %dma_start3A_128] : memref<32x128xf32, #tpu.memory_space<vmem>> -> memref<1x128xf32, #tpu.memory_space<vmem>>
      %dma_start3A_130 = tpu.memref_squeeze %dma_start3A_129 : memref<1x128xf32, #tpu.memory_space<vmem>> -> memref<128xf32, #tpu.memory_space<vmem>>
      %dma_start3A_131 = tpu.memref_slice %arg3[%multiple_of3A_126] : memref<83200000xf32, #tpu.memory_space<hbm>> -> memref<100000xf32, #tpu.memory_space<hbm>>
      %dma_start3A_132 = arith.constant 0 : i32
      %dma_start3A_133 = tpu.memref_slice %dma_start3A_131[%dma_start3A_132] : memref<100000xf32, #tpu.memory_space<hbm>> -> memref<100000xf32, #tpu.memory_space<hbm>>
      tpu.enqueue_indirect_dma source(%dma_start3A_133 : memref<100000xf32, #tpu.memory_space<hbm>>) target(%dma_start3A_130 : memref<128xf32, #tpu.memory_space<vmem>>) offsets(%arg6 : memref<128xi32, #tpu.memory_space<vmem>>) semaphore(%arg8 : memref<!tpu.dma_semaphore, #tpu.memory_space<semaphore_mem>>)
      %mul3A_134 = arith.constant 32 : i32
      %mul3A_135 = arith.muli %scan3A_11, %mul3A_134 : i32
      %add3A_136 = arith.constant 5 : i32
      %add3A_137 = arith.addi %mul3A_135, %add3A_136 : i32
      %mul3A_138 = arith.constant 100000 : i32
      %mul3A_139 = arith.muli %add3A_137, %mul3A_138 : i32
      %multiple_of3A_140 = tpu.assume_multiple %mul3A_139, 8 : i32
      %dma_start3A_141 = arith.constant 5 : i32
      %dma_start3A_142 = arith.constant 0 : i32
      %dma_start3A_143 = tpu.memref_slice %arg7[%dma_start3A_141, %dma_start3A_142] : memref<32x128xf32, #tpu.memory_space<vmem>> -> memref<1x128xf32, #tpu.memory_space<vmem>>
      %dma_start3A_144 = tpu.memref_squeeze %dma_start3A_143 : memref<1x128xf32, #tpu.memory_space<vmem>> -> memref<128xf32, #tpu.memory_space<vmem>>
      %dma_start3A_145 = tpu.memref_slice %arg3[%multiple_of3A_140] : memref<83200000xf32, #tpu.memory_space<hbm>> -> memref<100000xf32, #tpu.memory_space<hbm>>
      %dma_start3A_146 = arith.constant 0 : i32
      %dma_start3A_147 = tpu.memref_slice %dma_start3A_145[%dma_start3A_146] : memref<100000xf32, #tpu.memory_space<hbm>> -> memref<100000xf32, #tpu.memory_space<hbm>>
      tpu.enqueue_indirect_dma source(%dma_start3A_147 : memref<100000xf32, #tpu.memory_space<hbm>>) target(%dma_start3A_144 : memref<128xf32, #tpu.memory_space<vmem>>) offsets(%arg6 : memref<128xi32, #tpu.memory_space<vmem>>) semaphore(%arg8 : memref<!tpu.dma_semaphore, #tpu.memory_space<semaphore_mem>>)
      %mul3A_148 = arith.constant 32 : i32
      %mul3A_149 = arith.muli %scan3A_11, %mul3A_148 : i32
      %add3A_150 = arith.constant 6 : i32
      %add3A_151 = arith.addi %mul3A_149, %add3A_150 : i32
      %mul3A_152 = arith.constant 100000 : i32
      %mul3A_153 = arith.muli %add3A_151, %mul3A_152 : i32
      %multiple_of3A_154 = tpu.assume_multiple %mul3A_153, 8 : i32
      %dma_start3A_155 = arith.constant 6 : i32
      %dma_start3A_156 = arith.constant 0 : i32
      %dma_start3A_157 = tpu.memref_slice %arg7[%dma_start3A_155, %dma_start3A_156] : memref<32x128xf32, #tpu.memory_space<vmem>> -> memref<1x128xf32, #tpu.memory_space<vmem>>
      %dma_start3A_158 = tpu.memref_squeeze %dma_start3A_157 : memref<1x128xf32, #tpu.memory_space<vmem>> -> memref<128xf32, #tpu.memory_space<vmem>>
      %dma_start3A_159 = tpu.memref_slice %arg3[%multiple_of3A_154] : memref<83200000xf32, #tpu.memory_space<hbm>> -> memref<100000xf32, #tpu.memory_space<hbm>>
      %dma_start3A_160 = arith.constant 0 : i32
      %dma_start3A_161 = tpu.memref_slice %dma_start3A_159[%dma_start3A_160] : memref<100000xf32, #tpu.memory_space<hbm>> -> memref<100000xf32, #tpu.memory_space<hbm>>
      tpu.enqueue_indirect_dma source(%dma_start3A_161 : memref<100000xf32, #tpu.memory_space<hbm>>) target(%dma_start3A_158 : memref<128xf32, #tpu.memory_space<vmem>>) offsets(%arg6 : memref<128xi32, #tpu.memory_space<vmem>>) semaphore(%arg8 : memref<!tpu.dma_semaphore, #tpu.memory_space<semaphore_mem>>)
      %mul3A_162 = arith.constant 32 : i32
      %mul3A_163 = arith.muli %scan3A_11, %mul3A_162 : i32
      %add3A_164 = arith.constant 7 : i32
      %add3A_165 = arith.addi %mul3A_163, %add3A_164 : i32
      %mul3A_166 = arith.constant 100000 : i32
      %mul3A_167 = arith.muli %add3A_165, %mul3A_166 : i32
      %multiple_of3A_168 = tpu.assume_multiple %mul3A_167, 8 : i32
      %dma_start3A_169 = arith.constant 7 : i32
      %dma_start3A_170 = arith.constant 0 : i32
      %dma_start3A_171 = tpu.memref_slice %arg7[%dma_start3A_169, %dma_start3A_170] : memref<32x128xf32, #tpu.memory_space<vmem>> -> memref<1x128xf32, #tpu.memory_space<vmem>>
      %dma_start3A_172 = tpu.memref_squeeze %dma_start3A_171 : memref<1x128xf32, #tpu.memory_space<vmem>> -> memref<128xf32, #tpu.memory_space<vmem>>
      %dma_start3A_173 = tpu.memref_slice %arg3[%multiple_of3A_168] : memref<83200000xf32, #tpu.memory_space<hbm>> -> memref<100000xf32, #tpu.memory_space<hbm>>
      %dma_start3A_174 = arith.constant 0 : i32
      %dma_start3A_175 = tpu.memref_slice %dma_start3A_173[%dma_start3A_174] : memref<100000xf32, #tpu.memory_space<hbm>> -> memref<100000xf32, #tpu.memory_space<hbm>>
      tpu.enqueue_indirect_dma source(%dma_start3A_175 : memref<100000xf32, #tpu.memory_space<hbm>>) target(%dma_start3A_172 : memref<128xf32, #tpu.memory_space<vmem>>) offsets(%arg6 : memref<128xi32, #tpu.memory_space<vmem>>) semaphore(%arg8 : memref<!tpu.dma_semaphore, #tpu.memory_space<semaphore_mem>>)
      %mul3A_176 = arith.constant 32 : i32
      %mul3A_177 = arith.muli %scan3A_11, %mul3A_176 : i32
      %add3A_178 = arith.constant 8 : i32
      %add3A_179 = arith.addi %mul3A_177, %add3A_178 : i32
      %mul3A_180 = arith.constant 100000 : i32
      %mul3A_181 = arith.muli %add3A_179, %mul3A_180 : i32
      %multiple_of3A_182 = tpu.assume_multiple %mul3A_181, 8 : i32
      %dma_start3A_183 = arith.constant 8 : i32
      %dma_start3A_184 = arith.constant 0 : i32
      %dma_start3A_185 = tpu.memref_slice %arg7[%dma_start3A_183, %dma_start3A_184] : memref<32x128xf32, #tpu.memory_space<vmem>> -> memref<1x128xf32, #tpu.memory_space<vmem>>
      %dma_start3A_186 = tpu.memref_squeeze %dma_start3A_185 : memref<1x128xf32, #tpu.memory_space<vmem>> -> memref<128xf32, #tpu.memory_space<vmem>>
      %dma_start3A_187 = tpu.memref_slice %arg3[%multiple_of3A_182] : memref<83200000xf32, #tpu.memory_space<hbm>> -> memref<100000xf32, #tpu.memory_space<hbm>>
      %dma_start3A_188 = arith.constant 0 : i32
      %dma_start3A_189 = tpu.memref_slice %dma_start3A_187[%dma_start3A_188] : memref<100000xf32, #tpu.memory_space<hbm>> -> memref<100000xf32, #tpu.memory_space<hbm>>
      tpu.enqueue_indirect_dma source(%dma_start3A_189 : memref<100000xf32, #tpu.memory_space<hbm>>) target(%dma_start3A_186 : memref<128xf32, #tpu.memory_space<vmem>>) offsets(%arg6 : memref<128xi32, #tpu.memory_space<vmem>>) semaphore(%arg8 : memref<!tpu.dma_semaphore, #tpu.memory_space<semaphore_mem>>)
      %mul3A_190 = arith.constant 32 : i32
      %mul3A_191 = arith.muli %scan3A_11, %mul3A_190 : i32
      %add3A_192 = arith.constant 9 : i32
      %add3A_193 = arith.addi %mul3A_191, %add3A_192 : i32
      %mul3A_194 = arith.constant 100000 : i32
      %mul3A_195 = arith.muli %add3A_193, %mul3A_194 : i32
      %multiple_of3A_196 = tpu.assume_multiple %mul3A_195, 8 : i32
      %dma_start3A_197 = arith.constant 9 : i32
      %dma_start3A_198 = arith.constant 0 : i32
      %dma_start3A_199 = tpu.memref_slice %arg7[%dma_start3A_197, %dma_start3A_198] : memref<32x128xf32, #tpu.memory_space<vmem>> -> memref<1x128xf32, #tpu.memory_space<vmem>>
      %dma_start3A_200 = tpu.memref_squeeze %dma_start3A_199 : memref<1x128xf32, #tpu.memory_space<vmem>> -> memref<128xf32, #tpu.memory_space<vmem>>
      %dma_start3A_201 = tpu.memref_slice %arg3[%multiple_of3A_196] : memref<83200000xf32, #tpu.memory_space<hbm>> -> memref<100000xf32, #tpu.memory_space<hbm>>
      %dma_start3A_202 = arith.constant 0 : i32
      %dma_start3A_203 = tpu.memref_slice %dma_start3A_201[%dma_start3A_202] : memref<100000xf32, #tpu.memory_space<hbm>> -> memref<100000xf32, #tpu.memory_space<hbm>>
      tpu.enqueue_indirect_dma source(%dma_start3A_203 : memref<100000xf32, #tpu.memory_space<hbm>>) target(%dma_start3A_200 : memref<128xf32, #tpu.memory_space<vmem>>) offsets(%arg6 : memref<128xi32, #tpu.memory_space<vmem>>) semaphore(%arg8 : memref<!tpu.dma_semaphore, #tpu.memory_space<semaphore_mem>>)
      %mul3A_204 = arith.constant 32 : i32
      %mul3A_205 = arith.muli %scan3A_11, %mul3A_204 : i32
      %add3A_206 = arith.constant 10 : i32
      %add3A_207 = arith.addi %mul3A_205, %add3A_206 : i32
      %mul3A_208 = arith.constant 100000 : i32
      %mul3A_209 = arith.muli %add3A_207, %mul3A_208 : i32
      %multiple_of3A_210 = tpu.assume_multiple %mul3A_209, 8 : i32
      %dma_start3A_211 = arith.constant 10 : i32
      %dma_start3A_212 = arith.constant 0 : i32
      %dma_start3A_213 = tpu.memref_slice %arg7[%dma_start3A_211, %dma_start3A_212] : memref<32x128xf32, #tpu.memory_space<vmem>> -> memref<1x128xf32, #tpu.memory_space<vmem>>
      %dma_start3A_214 = tpu.memref_squeeze %dma_start3A_213 : memref<1x128xf32, #tpu.memory_space<vmem>> -> memref<128xf32, #tpu.memory_space<vmem>>
      %dma_start3A_215 = tpu.memref_slice %arg3[%multiple_of3A_210] : memref<83200000xf32, #tpu.memory_space<hbm>> -> memref<100000xf32, #tpu.memory_space<hbm>>
      %dma_start3A_216 = arith.constant 0 : i32
      %dma_start3A_217 = tpu.memref_slice %dma_start3A_215[%dma_start3A_216] : memref<100000xf32, #tpu.memory_space<hbm>> -> memref<100000xf32, #tpu.memory_space<hbm>>
      tpu.enqueue_indirect_dma source(%dma_start3A_217 : memref<100000xf32, #tpu.memory_space<hbm>>) target(%dma_start3A_214 : memref<128xf32, #tpu.memory_space<vmem>>) offsets(%arg6 : memref<128xi32, #tpu.memory_space<vmem>>) semaphore(%arg8 : memref<!tpu.dma_semaphore, #tpu.memory_space<semaphore_mem>>)
      %mul3A_218 = arith.constant 32 : i32
      %mul3A_219 = arith.muli %scan3A_11, %mul3A_218 : i32
      %add3A_220 = arith.constant 11 : i32
      %add3A_221 = arith.addi %mul3A_219, %add3A_220 : i32
      %mul3A_222 = arith.constant 100000 : i32
      %mul3A_223 = arith.muli %add3A_221, %mul3A_222 : i32
      %multiple_of3A_224 = tpu.assume_multiple %mul3A_223, 8 : i32
      %dma_start3A_225 = arith.constant 11 : i32
      %dma_start3A_226 = arith.constant 0 : i32
      %dma_start3A_227 = tpu.memref_slice %arg7[%dma_start3A_225, %dma_start3A_226] : memref<32x128xf32, #tpu.memory_space<vmem>> -> memref<1x128xf32, #tpu.memory_space<vmem>>
      %dma_start3A_228 = tpu.memref_squeeze %dma_start3A_227 : memref<1x128xf32, #tpu.memory_space<vmem>> -> memref<128xf32, #tpu.memory_space<vmem>>
      %dma_start3A_229 = tpu.memref_slice %arg3[%multiple_of3A_224] : memref<83200000xf32, #tpu.memory_space<hbm>> -> memref<100000xf32, #tpu.memory_space<hbm>>
      %dma_start3A_230 = arith.constant 0 : i32
      %dma_start3A_231 = tpu.memref_slice %dma_start3A_229[%dma_start3A_230] : memref<100000xf32, #tpu.memory_space<hbm>> -> memref<100000xf32, #tpu.memory_space<hbm>>
      tpu.enqueue_indirect_dma source(%dma_start3A_231 : memref<100000xf32, #tpu.memory_space<hbm>>) target(%dma_start3A_228 : memref<128xf32, #tpu.memory_space<vmem>>) offsets(%arg6 : memref<128xi32, #tpu.memory_space<vmem>>) semaphore(%arg8 : memref<!tpu.dma_semaphore, #tpu.memory_space<semaphore_mem>>)
      %mul3A_232 = arith.constant 32 : i32
      %mul3A_233 = arith.muli %scan3A_11, %mul3A_232 : i32
      %add3A_234 = arith.constant 12 : i32
      %add3A_235 = arith.addi %mul3A_233, %add3A_234 : i32
      %mul3A_236 = arith.constant 100000 : i32
      %mul3A_237 = arith.muli %add3A_235, %mul3A_236 : i32
      %multiple_of3A_238 = tpu.assume_multiple %mul3A_237, 8 : i32
      %dma_start3A_239 = arith.constant 12 : i32
      %dma_start3A_240 = arith.constant 0 : i32
      %dma_start3A_241 = tpu.memref_slice %arg7[%dma_start3A_239, %dma_start3A_240] : memref<32x128xf32, #tpu.memory_space<vmem>> -> memref<1x128xf32, #tpu.memory_space<vmem>>
      %dma_start3A_242 = tpu.memref_squeeze %dma_start3A_241 : memref<1x128xf32, #tpu.memory_space<vmem>> -> memref<128xf32, #tpu.memory_space<vmem>>
      %dma_start3A_243 = tpu.memref_slice %arg3[%multiple_of3A_238] : memref<83200000xf32, #tpu.memory_space<hbm>> -> memref<100000xf32, #tpu.memory_space<hbm>>
      %dma_start3A_244 = arith.constant 0 : i32
      %dma_start3A_245 = tpu.memref_slice %dma_start3A_243[%dma_start3A_244] : memref<100000xf32, #tpu.memory_space<hbm>> -> memref<100000xf32, #tpu.memory_space<hbm>>
      tpu.enqueue_indirect_dma source(%dma_start3A_245 : memref<100000xf32, #tpu.memory_space<hbm>>) target(%dma_start3A_242 : memref<128xf32, #tpu.memory_space<vmem>>) offsets(%arg6 : memref<128xi32, #tpu.memory_space<vmem>>) semaphore(%arg8 : memref<!tpu.dma_semaphore, #tpu.memory_space<semaphore_mem>>)
      %mul3A_246 = arith.constant 32 : i32
      %mul3A_247 = arith.muli %scan3A_11, %mul3A_246 : i32
      %add3A_248 = arith.constant 13 : i32
      %add3A_249 = arith.addi %mul3A_247, %add3A_248 : i32
      %mul3A_250 = arith.constant 100000 : i32
      %mul3A_251 = arith.muli %add3A_249, %mul3A_250 : i32
      %multiple_of3A_252 = tpu.assume_multiple %mul3A_251, 8 : i32
      %dma_start3A_253 = arith.constant 13 : i32
      %dma_start3A_254 = arith.constant 0 : i32
      %dma_start3A_255 = tpu.memref_slice %arg7[%dma_start3A_253, %dma_start3A_254] : memref<32x128xf32, #tpu.memory_space<vmem>> -> memref<1x128xf32, #tpu.memory_space<vmem>>
      %dma_start3A_256 = tpu.memref_squeeze %dma_start3A_255 : memref<1x128xf32, #tpu.memory_space<vmem>> -> memref<128xf32, #tpu.memory_space<vmem>>
      %dma_start3A_257 = tpu.memref_slice %arg3[%multiple_of3A_252] : memref<83200000xf32, #tpu.memory_space<hbm>> -> memref<100000xf32, #tpu.memory_space<hbm>>
      %dma_start3A_258 = arith.constant 0 : i32
      %dma_start3A_259 = tpu.memref_slice %dma_start3A_257[%dma_start3A_258] : memref<100000xf32, #tpu.memory_space<hbm>> -> memref<100000xf32, #tpu.memory_space<hbm>>
      tpu.enqueue_indirect_dma source(%dma_start3A_259 : memref<100000xf32, #tpu.memory_space<hbm>>) target(%dma_start3A_256 : memref<128xf32, #tpu.memory_space<vmem>>) offsets(%arg6 : memref<128xi32, #tpu.memory_space<vmem>>) semaphore(%arg8 : memref<!tpu.dma_semaphore, #tpu.memory_space<semaphore_mem>>)
      %mul3A_260 = arith.constant 32 : i32
      %mul3A_261 = arith.muli %scan3A_11, %mul3A_260 : i32
      %add3A_262 = arith.constant 14 : i32
      %add3A_263 = arith.addi %mul3A_261, %add3A_262 : i32
      %mul3A_264 = arith.constant 100000 : i32
      %mul3A_265 = arith.muli %add3A_263, %mul3A_264 : i32
      %multiple_of3A_266 = tpu.assume_multiple %mul3A_265, 8 : i32
      %dma_start3A_267 = arith.constant 14 : i32
      %dma_start3A_268 = arith.constant 0 : i32
      %dma_start3A_269 = tpu.memref_slice %arg7[%dma_start3A_267, %dma_start3A_268] : memref<32x128xf32, #tpu.memory_space<vmem>> -> memref<1x128xf32, #tpu.memory_space<vmem>>
      %dma_start3A_270 = tpu.memref_squeeze %dma_start3A_269 : memref<1x128xf32, #tpu.memory_space<vmem>> -> memref<128xf32, #tpu.memory_space<vmem>>
      %dma_start3A_271 = tpu.memref_slice %arg3[%multiple_of3A_266] : memref<83200000xf32, #tpu.memory_space<hbm>> -> memref<100000xf32, #tpu.memory_space<hbm>>
      %dma_start3A_272 = arith.constant 0 : i32
      %dma_start3A_273 = tpu.memref_slice %dma_start3A_271[%dma_start3A_272] : memref<100000xf32, #tpu.memory_space<hbm>> -> memref<100000xf32, #tpu.memory_space<hbm>>
      tpu.enqueue_indirect_dma source(%dma_start3A_273 : memref<100000xf32, #tpu.memory_space<hbm>>) target(%dma_start3A_270 : memref<128xf32, #tpu.memory_space<vmem>>) offsets(%arg6 : memref<128xi32, #tpu.memory_space<vmem>>) semaphore(%arg8 : memref<!tpu.dma_semaphore, #tpu.memory_space<semaphore_mem>>)
      %mul3A_274 = arith.constant 32 : i32
      %mul3A_275 = arith.muli %scan3A_11, %mul3A_274 : i32
      %add3A_276 = arith.constant 15 : i32
      %add3A_277 = arith.addi %mul3A_275, %add3A_276 : i32
      %mul3A_278 = arith.constant 100000 : i32
      %mul3A_279 = arith.muli %add3A_277, %mul3A_278 : i32
      %multiple_of3A_280 = tpu.assume_multiple %mul3A_279, 8 : i32
      %dma_start3A_281 = arith.constant 15 : i32
      %dma_start3A_282 = arith.constant 0 : i32
      %dma_start3A_283 = tpu.memref_slice %arg7[%dma_start3A_281, %dma_start3A_282] : memref<32x128xf32, #tpu.memory_space<vmem>> -> memref<1x128xf32, #tpu.memory_space<vmem>>
      %dma_start3A_284 = tpu.memref_squeeze %dma_start3A_283 : memref<1x128xf32, #tpu.memory_space<vmem>> -> memref<128xf32, #tpu.memory_space<vmem>>
      %dma_start3A_285 = tpu.memref_slice %arg3[%multiple_of3A_280] : memref<83200000xf32, #tpu.memory_space<hbm>> -> memref<100000xf32, #tpu.memory_space<hbm>>
      %dma_start3A_286 = arith.constant 0 : i32
      %dma_start3A_287 = tpu.memref_slice %dma_start3A_285[%dma_start3A_286] : memref<100000xf32, #tpu.memory_space<hbm>> -> memref<100000xf32, #tpu.memory_space<hbm>>
      tpu.enqueue_indirect_dma source(%dma_start3A_287 : memref<100000xf32, #tpu.memory_space<hbm>>) target(%dma_start3A_284 : memref<128xf32, #tpu.memory_space<vmem>>) offsets(%arg6 : memref<128xi32, #tpu.memory_space<vmem>>) semaphore(%arg8 : memref<!tpu.dma_semaphore, #tpu.memory_space<semaphore_mem>>)
      %mul3A_288 = arith.constant 32 : i32
      %mul3A_289 = arith.muli %scan3A_11, %mul3A_288 : i32
      %add3A_290 = arith.constant 16 : i32
      %add3A_291 = arith.addi %mul3A_289, %add3A_290 : i32
      %mul3A_292 = arith.constant 100000 : i32
      %mul3A_293 = arith.muli %add3A_291, %mul3A_292 : i32
      %multiple_of3A_294 = tpu.assume_multiple %mul3A_293, 8 : i32
      %dma_start3A_295 = arith.constant 16 : i32
      %dma_start3A_296 = arith.constant 0 : i32
      %dma_start3A_297 = tpu.memref_slice %arg7[%dma_start3A_295, %dma_start3A_296] : memref<32x128xf32, #tpu.memory_space<vmem>> -> memref<1x128xf32, #tpu.memory_space<vmem>>
      %dma_start3A_298 = tpu.memref_squeeze %dma_start3A_297 : memref<1x128xf32, #tpu.memory_space<vmem>> -> memref<128xf32, #tpu.memory_space<vmem>>
      %dma_start3A_299 = tpu.memref_slice %arg3[%multiple_of3A_294] : memref<83200000xf32, #tpu.memory_space<hbm>> -> memref<100000xf32, #tpu.memory_space<hbm>>
      %dma_start3A_300 = arith.constant 0 : i32
      %dma_start3A_301 = tpu.memref_slice %dma_start3A_299[%dma_start3A_300] : memref<100000xf32, #tpu.memory_space<hbm>> -> memref<100000xf32, #tpu.memory_space<hbm>>
      tpu.enqueue_indirect_dma source(%dma_start3A_301 : memref<100000xf32, #tpu.memory_space<hbm>>) target(%dma_start3A_298 : memref<128xf32, #tpu.memory_space<vmem>>) offsets(%arg6 : memref<128xi32, #tpu.memory_space<vmem>>) semaphore(%arg8 : memref<!tpu.dma_semaphore, #tpu.memory_space<semaphore_mem>>)
      %mul3A_302 = arith.constant 32 : i32
      %mul3A_303 = arith.muli %scan3A_11, %mul3A_302 : i32
      %add3A_304 = arith.constant 17 : i32
      %add3A_305 = arith.addi %mul3A_303, %add3A_304 : i32
      %mul3A_306 = arith.constant 100000 : i32
      %mul3A_307 = arith.muli %add3A_305, %mul3A_306 : i32
      %multiple_of3A_308 = tpu.assume_multiple %mul3A_307, 8 : i32
      %dma_start3A_309 = arith.constant 17 : i32
      %dma_start3A_310 = arith.constant 0 : i32
      %dma_start3A_311 = tpu.memref_slice %arg7[%dma_start3A_309, %dma_start3A_310] : memref<32x128xf32, #tpu.memory_space<vmem>> -> memref<1x128xf32, #tpu.memory_space<vmem>>
      %dma_start3A_312 = tpu.memref_squeeze %dma_start3A_311 : memref<1x128xf32, #tpu.memory_space<vmem>> -> memref<128xf32, #tpu.memory_space<vmem>>
      %dma_start3A_313 = tpu.memref_slice %arg3[%multiple_of3A_308] : memref<83200000xf32, #tpu.memory_space<hbm>> -> memref<100000xf32, #tpu.memory_space<hbm>>
      %dma_start3A_314 = arith.constant 0 : i32
      %dma_start3A_315 = tpu.memref_slice %dma_start3A_313[%dma_start3A_314] : memref<100000xf32, #tpu.memory_space<hbm>> -> memref<100000xf32, #tpu.memory_space<hbm>>
      tpu.enqueue_indirect_dma source(%dma_start3A_315 : memref<100000xf32, #tpu.memory_space<hbm>>) target(%dma_start3A_312 : memref<128xf32, #tpu.memory_space<vmem>>) offsets(%arg6 : memref<128xi32, #tpu.memory_space<vmem>>) semaphore(%arg8 : memref<!tpu.dma_semaphore, #tpu.memory_space<semaphore_mem>>)
      %mul3A_316 = arith.constant 32 : i32
      %mul3A_317 = arith.muli %scan3A_11, %mul3A_316 : i32
      %add3A_318 = arith.constant 18 : i32
      %add3A_319 = arith.addi %mul3A_317, %add3A_318 : i32
      %mul3A_320 = arith.constant 100000 : i32
      %mul3A_321 = arith.muli %add3A_319, %mul3A_320 : i32
      %multiple_of3A_322 = tpu.assume_multiple %mul3A_321, 8 : i32
      %dma_start3A_323 = arith.constant 18 : i32
      %dma_start3A_324 = arith.constant 0 : i32
      %dma_start3A_325 = tpu.memref_slice %arg7[%dma_start3A_323, %dma_start3A_324] : memref<32x128xf32, #tpu.memory_space<vmem>> -> memref<1x128xf32, #tpu.memory_space<vmem>>
      %dma_start3A_326 = tpu.memref_squeeze %dma_start3A_325 : memref<1x128xf32, #tpu.memory_space<vmem>> -> memref<128xf32, #tpu.memory_space<vmem>>
      %dma_start3A_327 = tpu.memref_slice %arg3[%multiple_of3A_322] : memref<83200000xf32, #tpu.memory_space<hbm>> -> memref<100000xf32, #tpu.memory_space<hbm>>
      %dma_start3A_328 = arith.constant 0 : i32
      %dma_start3A_329 = tpu.memref_slice %dma_start3A_327[%dma_start3A_328] : memref<100000xf32, #tpu.memory_space<hbm>> -> memref<100000xf32, #tpu.memory_space<hbm>>
      tpu.enqueue_indirect_dma source(%dma_start3A_329 : memref<100000xf32, #tpu.memory_space<hbm>>) target(%dma_start3A_326 : memref<128xf32, #tpu.memory_space<vmem>>) offsets(%arg6 : memref<128xi32, #tpu.memory_space<vmem>>) semaphore(%arg8 : memref<!tpu.dma_semaphore, #tpu.memory_space<semaphore_mem>>)
      %mul3A_330 = arith.constant 32 : i32
      %mul3A_331 = arith.muli %scan3A_11, %mul3A_330 : i32
      %add3A_332 = arith.constant 19 : i32
      %add3A_333 = arith.addi %mul3A_331, %add3A_332 : i32
      %mul3A_334 = arith.constant 100000 : i32
      %mul3A_335 = arith.muli %add3A_333, %mul3A_334 : i32
      %multiple_of3A_336 = tpu.assume_multiple %mul3A_335, 8 : i32
      %dma_start3A_337 = arith.constant 19 : i32
      %dma_start3A_338 = arith.constant 0 : i32
      %dma_start3A_339 = tpu.memref_slice %arg7[%dma_start3A_337, %dma_start3A_338] : memref<32x128xf32, #tpu.memory_space<vmem>> -> memref<1x128xf32, #tpu.memory_space<vmem>>
      %dma_start3A_340 = tpu.memref_squeeze %dma_start3A_339 : memref<1x128xf32, #tpu.memory_space<vmem>> -> memref<128xf32, #tpu.memory_space<vmem>>
      %dma_start3A_341 = tpu.memref_slice %arg3[%multiple_of3A_336] : memref<83200000xf32, #tpu.memory_space<hbm>> -> memref<100000xf32, #tpu.memory_space<hbm>>
      %dma_start3A_342 = arith.constant 0 : i32
      %dma_start3A_343 = tpu.memref_slice %dma_start3A_341[%dma_start3A_342] : memref<100000xf32, #tpu.memory_space<hbm>> -> memref<100000xf32, #tpu.memory_space<hbm>>
      tpu.enqueue_indirect_dma source(%dma_start3A_343 : memref<100000xf32, #tpu.memory_space<hbm>>) target(%dma_start3A_340 : memref<128xf32, #tpu.memory_space<vmem>>) offsets(%arg6 : memref<128xi32, #tpu.memory_space<vmem>>) semaphore(%arg8 : memref<!tpu.dma_semaphore, #tpu.memory_space<semaphore_mem>>)
      %mul3A_344 = arith.constant 32 : i32
      %mul3A_345 = arith.muli %scan3A_11, %mul3A_344 : i32
      %add3A_346 = arith.constant 20 : i32
      %add3A_347 = arith.addi %mul3A_345, %add3A_346 : i32
      %mul3A_348 = arith.constant 100000 : i32
      %mul3A_349 = arith.muli %add3A_347, %mul3A_348 : i32
      %multiple_of3A_350 = tpu.assume_multiple %mul3A_349, 8 : i32
      %dma_start3A_351 = arith.constant 20 : i32
      %dma_start3A_352 = arith.constant 0 : i32
      %dma_start3A_353 = tpu.memref_slice %arg7[%dma_start3A_351, %dma_start3A_352] : memref<32x128xf32, #tpu.memory_space<vmem>> -> memref<1x128xf32, #tpu.memory_space<vmem>>
      %dma_start3A_354 = tpu.memref_squeeze %dma_start3A_353 : memref<1x128xf32, #tpu.memory_space<vmem>> -> memref<128xf32, #tpu.memory_space<vmem>>
      %dma_start3A_355 = tpu.memref_slice %arg3[%multiple_of3A_350] : memref<83200000xf32, #tpu.memory_space<hbm>> -> memref<100000xf32, #tpu.memory_space<hbm>>
      %dma_start3A_356 = arith.constant 0 : i32
      %dma_start3A_357 = tpu.memref_slice %dma_start3A_355[%dma_start3A_356] : memref<100000xf32, #tpu.memory_space<hbm>> -> memref<100000xf32, #tpu.memory_space<hbm>>
      tpu.enqueue_indirect_dma source(%dma_start3A_357 : memref<100000xf32, #tpu.memory_space<hbm>>) target(%dma_start3A_354 : memref<128xf32, #tpu.memory_space<vmem>>) offsets(%arg6 : memref<128xi32, #tpu.memory_space<vmem>>) semaphore(%arg8 : memref<!tpu.dma_semaphore, #tpu.memory_space<semaphore_mem>>)
      %mul3A_358 = arith.constant 32 : i32
      %mul3A_359 = arith.muli %scan3A_11, %mul3A_358 : i32
      %add3A_360 = arith.constant 21 : i32
      %add3A_361 = arith.addi %mul3A_359, %add3A_360 : i32
      %mul3A_362 = arith.constant 100000 : i32
      %mul3A_363 = arith.muli %add3A_361, %mul3A_362 : i32
      %multiple_of3A_364 = tpu.assume_multiple %mul3A_363, 8 : i32
      %dma_start3A_365 = arith.constant 21 : i32
      %dma_start3A_366 = arith.constant 0 : i32
      %dma_start3A_367 = tpu.memref_slice %arg7[%dma_start3A_365, %dma_start3A_366] : memref<32x128xf32, #tpu.memory_space<vmem>> -> memref<1x128xf32, #tpu.memory_space<vmem>>
      %dma_start3A_368 = tpu.memref_squeeze %dma_start3A_367 : memref<1x128xf32, #tpu.memory_space<vmem>> -> memref<128xf32, #tpu.memory_space<vmem>>
      %dma_start3A_369 = tpu.memref_slice %arg3[%multiple_of3A_364] : memref<83200000xf32, #tpu.memory_space<hbm>> -> memref<100000xf32, #tpu.memory_space<hbm>>
      %dma_start3A_370 = arith.constant 0 : i32
      %dma_start3A_371 = tpu.memref_slice %dma_start3A_369[%dma_start3A_370] : memref<100000xf32, #tpu.memory_space<hbm>> -> memref<100000xf32, #tpu.memory_space<hbm>>
      tpu.enqueue_indirect_dma source(%dma_start3A_371 : memref<100000xf32, #tpu.memory_space<hbm>>) target(%dma_start3A_368 : memref<128xf32, #tpu.memory_space<vmem>>) offsets(%arg6 : memref<128xi32, #tpu.memory_space<vmem>>) semaphore(%arg8 : memref<!tpu.dma_semaphore, #tpu.memory_space<semaphore_mem>>)
      %mul3A_372 = arith.constant 32 : i32
      %mul3A_373 = arith.muli %scan3A_11, %mul3A_372 : i32
      %add3A_374 = arith.constant 22 : i32
      %add3A_375 = arith.addi %mul3A_373, %add3A_374 : i32
      %mul3A_376 = arith.constant 100000 : i32
      %mul3A_377 = arith.muli %add3A_375, %mul3A_376 : i32
      %multiple_of3A_378 = tpu.assume_multiple %mul3A_377, 8 : i32
      %dma_start3A_379 = arith.constant 22 : i32
      %dma_start3A_380 = arith.constant 0 : i32
      %dma_start3A_381 = tpu.memref_slice %arg7[%dma_start3A_379, %dma_start3A_380] : memref<32x128xf32, #tpu.memory_space<vmem>> -> memref<1x128xf32, #tpu.memory_space<vmem>>
      %dma_start3A_382 = tpu.memref_squeeze %dma_start3A_381 : memref<1x128xf32, #tpu.memory_space<vmem>> -> memref<128xf32, #tpu.memory_space<vmem>>
      %dma_start3A_383 = tpu.memref_slice %arg3[%multiple_of3A_378] : memref<83200000xf32, #tpu.memory_space<hbm>> -> memref<100000xf32, #tpu.memory_space<hbm>>
      %dma_start3A_384 = arith.constant 0 : i32
      %dma_start3A_385 = tpu.memref_slice %dma_start3A_383[%dma_start3A_384] : memref<100000xf32, #tpu.memory_space<hbm>> -> memref<100000xf32, #tpu.memory_space<hbm>>
      tpu.enqueue_indirect_dma source(%dma_start3A_385 : memref<100000xf32, #tpu.memory_space<hbm>>) target(%dma_start3A_382 : memref<128xf32, #tpu.memory_space<vmem>>) offsets(%arg6 : memref<128xi32, #tpu.memory_space<vmem>>) semaphore(%arg8 : memref<!tpu.dma_semaphore, #tpu.memory_space<semaphore_mem>>)
      %mul3A_386 = arith.constant 32 : i32
      %mul3A_387 = arith.muli %scan3A_11, %mul3A_386 : i32
      %add3A_388 = arith.constant 23 : i32
      %add3A_389 = arith.addi %mul3A_387, %add3A_388 : i32
      %mul3A_390 = arith.constant 100000 : i32
      %mul3A_391 = arith.muli %add3A_389, %mul3A_390 : i32
      %multiple_of3A_392 = tpu.assume_multiple %mul3A_391, 8 : i32
      %dma_start3A_393 = arith.constant 23 : i32
      %dma_start3A_394 = arith.constant 0 : i32
      %dma_start3A_395 = tpu.memref_slice %arg7[%dma_start3A_393, %dma_start3A_394] : memref<32x128xf32, #tpu.memory_space<vmem>> -> memref<1x128xf32, #tpu.memory_space<vmem>>
      %dma_start3A_396 = tpu.memref_squeeze %dma_start3A_395 : memref<1x128xf32, #tpu.memory_space<vmem>> -> memref<128xf32, #tpu.memory_space<vmem>>
      %dma_start3A_397 = tpu.memref_slice %arg3[%multiple_of3A_392] : memref<83200000xf32, #tpu.memory_space<hbm>> -> memref<100000xf32, #tpu.memory_space<hbm>>
      %dma_start3A_398 = arith.constant 0 : i32
      %dma_start3A_399 = tpu.memref_slice %dma_start3A_397[%dma_start3A_398] : memref<100000xf32, #tpu.memory_space<hbm>> -> memref<100000xf32, #tpu.memory_space<hbm>>
      tpu.enqueue_indirect_dma source(%dma_start3A_399 : memref<100000xf32, #tpu.memory_space<hbm>>) target(%dma_start3A_396 : memref<128xf32, #tpu.memory_space<vmem>>) offsets(%arg6 : memref<128xi32, #tpu.memory_space<vmem>>) semaphore(%arg8 : memref<!tpu.dma_semaphore, #tpu.memory_space<semaphore_mem>>)
      %mul3A_400 = arith.constant 32 : i32
      %mul3A_401 = arith.muli %scan3A_11, %mul3A_400 : i32
      %add3A_402 = arith.constant 24 : i32
      %add3A_403 = arith.addi %mul3A_401, %add3A_402 : i32
      %mul3A_404 = arith.constant 100000 : i32
      %mul3A_405 = arith.muli %add3A_403, %mul3A_404 : i32
      %multiple_of3A_406 = tpu.assume_multiple %mul3A_405, 8 : i32
      %dma_start3A_407 = arith.constant 24 : i32
      %dma_start3A_408 = arith.constant 0 : i32
      %dma_start3A_409 = tpu.memref_slice %arg7[%dma_start3A_407, %dma_start3A_408] : memref<32x128xf32, #tpu.memory_space<vmem>> -> memref<1x128xf32, #tpu.memory_space<vmem>>
      %dma_start3A_410 = tpu.memref_squeeze %dma_start3A_409 : memref<1x128xf32, #tpu.memory_space<vmem>> -> memref<128xf32, #tpu.memory_space<vmem>>
      %dma_start3A_411 = tpu.memref_slice %arg3[%multiple_of3A_406] : memref<83200000xf32, #tpu.memory_space<hbm>> -> memref<100000xf32, #tpu.memory_space<hbm>>
      %dma_start3A_412 = arith.constant 0 : i32
      %dma_start3A_413 = tpu.memref_slice %dma_start3A_411[%dma_start3A_412] : memref<100000xf32, #tpu.memory_space<hbm>> -> memref<100000xf32, #tpu.memory_space<hbm>>
      tpu.enqueue_indirect_dma source(%dma_start3A_413 : memref<100000xf32, #tpu.memory_space<hbm>>) target(%dma_start3A_410 : memref<128xf32, #tpu.memory_space<vmem>>) offsets(%arg6 : memref<128xi32, #tpu.memory_space<vmem>>) semaphore(%arg8 : memref<!tpu.dma_semaphore, #tpu.memory_space<semaphore_mem>>)
      %mul3A_414 = arith.constant 32 : i32
      %mul3A_415 = arith.muli %scan3A_11, %mul3A_414 : i32
      %add3A_416 = arith.constant 25 : i32
      %add3A_417 = arith.addi %mul3A_415, %add3A_416 : i32
      %mul3A_418 = arith.constant 100000 : i32
      %mul3A_419 = arith.muli %add3A_417, %mul3A_418 : i32
      %multiple_of3A_420 = tpu.assume_multiple %mul3A_419, 8 : i32
      %dma_start3A_421 = arith.constant 25 : i32
      %dma_start3A_422 = arith.constant 0 : i32
      %dma_start3A_423 = tpu.memref_slice %arg7[%dma_start3A_421, %dma_start3A_422] : memref<32x128xf32, #tpu.memory_space<vmem>> -> memref<1x128xf32, #tpu.memory_space<vmem>>
      %dma_start3A_424 = tpu.memref_squeeze %dma_start3A_423 : memref<1x128xf32, #tpu.memory_space<vmem>> -> memref<128xf32, #tpu.memory_space<vmem>>
      %dma_start3A_425 = tpu.memref_slice %arg3[%multiple_of3A_420] : memref<83200000xf32, #tpu.memory_space<hbm>> -> memref<100000xf32, #tpu.memory_space<hbm>>
      %dma_start3A_426 = arith.constant 0 : i32
      %dma_start3A_427 = tpu.memref_slice %dma_start3A_425[%dma_start3A_426] : memref<100000xf32, #tpu.memory_space<hbm>> -> memref<100000xf32, #tpu.memory_space<hbm>>
      tpu.enqueue_indirect_dma source(%dma_start3A_427 : memref<100000xf32, #tpu.memory_space<hbm>>) target(%dma_start3A_424 : memref<128xf32, #tpu.memory_space<vmem>>) offsets(%arg6 : memref<128xi32, #tpu.memory_space<vmem>>) semaphore(%arg8 : memref<!tpu.dma_semaphore, #tpu.memory_space<semaphore_mem>>)
      %mul3A_428 = arith.constant 32 : i32
      %mul3A_429 = arith.muli %scan3A_11, %mul3A_428 : i32
      %add3A_430 = arith.constant 26 : i32
      %add3A_431 = arith.addi %mul3A_429, %add3A_430 : i32
      %mul3A_432 = arith.constant 100000 : i32
      %mul3A_433 = arith.muli %add3A_431, %mul3A_432 : i32
      %multiple_of3A_434 = tpu.assume_multiple %mul3A_433, 8 : i32
      %dma_start3A_435 = arith.constant 26 : i32
      %dma_start3A_436 = arith.constant 0 : i32
      %dma_start3A_437 = tpu.memref_slice %arg7[%dma_start3A_435, %dma_start3A_436] : memref<32x128xf32, #tpu.memory_space<vmem>> -> memref<1x128xf32, #tpu.memory_space<vmem>>
      %dma_start3A_438 = tpu.memref_squeeze %dma_start3A_437 : memref<1x128xf32, #tpu.memory_space<vmem>> -> memref<128xf32, #tpu.memory_space<vmem>>
      %dma_start3A_439 = tpu.memref_slice %arg3[%multiple_of3A_434] : memref<83200000xf32, #tpu.memory_space<hbm>> -> memref<100000xf32, #tpu.memory_space<hbm>>
      %dma_start3A_440 = arith.constant 0 : i32
      %dma_start3A_441 = tpu.memref_slice %dma_start3A_439[%dma_start3A_440] : memref<100000xf32, #tpu.memory_space<hbm>> -> memref<100000xf32, #tpu.memory_space<hbm>>
      tpu.enqueue_indirect_dma source(%dma_start3A_441 : memref<100000xf32, #tpu.memory_space<hbm>>) target(%dma_start3A_438 : memref<128xf32, #tpu.memory_space<vmem>>) offsets(%arg6 : memref<128xi32, #tpu.memory_space<vmem>>) semaphore(%arg8 : memref<!tpu.dma_semaphore, #tpu.memory_space<semaphore_mem>>)
      %mul3A_442 = arith.constant 32 : i32
      %mul3A_443 = arith.muli %scan3A_11, %mul3A_442 : i32
      %add3A_444 = arith.constant 27 : i32
      %add3A_445 = arith.addi %mul3A_443, %add3A_444 : i32
      %mul3A_446 = arith.constant 100000 : i32
      %mul3A_447 = arith.muli %add3A_445, %mul3A_446 : i32
      %multiple_of3A_448 = tpu.assume_multiple %mul3A_447, 8 : i32
      %dma_start3A_449 = arith.constant 27 : i32
      %dma_start3A_450 = arith.constant 0 : i32
      %dma_start3A_451 = tpu.memref_slice %arg7[%dma_start3A_449, %dma_start3A_450] : memref<32x128xf32, #tpu.memory_space<vmem>> -> memref<1x128xf32, #tpu.memory_space<vmem>>
      %dma_start3A_452 = tpu.memref_squeeze %dma_start3A_451 : memref<1x128xf32, #tpu.memory_space<vmem>> -> memref<128xf32, #tpu.memory_space<vmem>>
      %dma_start3A_453 = tpu.memref_slice %arg3[%multiple_of3A_448] : memref<83200000xf32, #tpu.memory_space<hbm>> -> memref<100000xf32, #tpu.memory_space<hbm>>
      %dma_start3A_454 = arith.constant 0 : i32
      %dma_start3A_455 = tpu.memref_slice %dma_start3A_453[%dma_start3A_454] : memref<100000xf32, #tpu.memory_space<hbm>> -> memref<100000xf32, #tpu.memory_space<hbm>>
      tpu.enqueue_indirect_dma source(%dma_start3A_455 : memref<100000xf32, #tpu.memory_space<hbm>>) target(%dma_start3A_452 : memref<128xf32, #tpu.memory_space<vmem>>) offsets(%arg6 : memref<128xi32, #tpu.memory_space<vmem>>) semaphore(%arg8 : memref<!tpu.dma_semaphore, #tpu.memory_space<semaphore_mem>>)
      %mul3A_456 = arith.constant 32 : i32
      %mul3A_457 = arith.muli %scan3A_11, %mul3A_456 : i32
      %add3A_458 = arith.constant 28 : i32
      %add3A_459 = arith.addi %mul3A_457, %add3A_458 : i32
      %mul3A_460 = arith.constant 100000 : i32
      %mul3A_461 = arith.muli %add3A_459, %mul3A_460 : i32
      %multiple_of3A_462 = tpu.assume_multiple %mul3A_461, 8 : i32
      %dma_start3A_463 = arith.constant 28 : i32
      %dma_start3A_464 = arith.constant 0 : i32
      %dma_start3A_465 = tpu.memref_slice %arg7[%dma_start3A_463, %dma_start3A_464] : memref<32x128xf32, #tpu.memory_space<vmem>> -> memref<1x128xf32, #tpu.memory_space<vmem>>
      %dma_start3A_466 = tpu.memref_squeeze %dma_start3A_465 : memref<1x128xf32, #tpu.memory_space<vmem>> -> memref<128xf32, #tpu.memory_space<vmem>>
      %dma_start3A_467 = tpu.memref_slice %arg3[%multiple_of3A_462] : memref<83200000xf32, #tpu.memory_space<hbm>> -> memref<100000xf32, #tpu.memory_space<hbm>>
      %dma_start3A_468 = arith.constant 0 : i32
      %dma_start3A_469 = tpu.memref_slice %dma_start3A_467[%dma_start3A_468] : memref<100000xf32, #tpu.memory_space<hbm>> -> memref<100000xf32, #tpu.memory_space<hbm>>
      tpu.enqueue_indirect_dma source(%dma_start3A_469 : memref<100000xf32, #tpu.memory_space<hbm>>) target(%dma_start3A_466 : memref<128xf32, #tpu.memory_space<vmem>>) offsets(%arg6 : memref<128xi32, #tpu.memory_space<vmem>>) semaphore(%arg8 : memref<!tpu.dma_semaphore, #tpu.memory_space<semaphore_mem>>)
      %mul3A_470 = arith.constant 32 : i32
      %mul3A_471 = arith.muli %scan3A_11, %mul3A_470 : i32
      %add3A_472 = arith.constant 29 : i32
      %add3A_473 = arith.addi %mul3A_471, %add3A_472 : i32
      %mul3A_474 = arith.constant 100000 : i32
      %mul3A_475 = arith.muli %add3A_473, %mul3A_474 : i32
      %multiple_of3A_476 = tpu.assume_multiple %mul3A_475, 8 : i32
      %dma_start3A_477 = arith.constant 29 : i32
      %dma_start3A_478 = arith.constant 0 : i32
      %dma_start3A_479 = tpu.memref_slice %arg7[%dma_start3A_477, %dma_start3A_478] : memref<32x128xf32, #tpu.memory_space<vmem>> -> memref<1x128xf32, #tpu.memory_space<vmem>>
      %dma_start3A_480 = tpu.memref_squeeze %dma_start3A_479 : memref<1x128xf32, #tpu.memory_space<vmem>> -> memref<128xf32, #tpu.memory_space<vmem>>
      %dma_start3A_481 = tpu.memref_slice %arg3[%multiple_of3A_476] : memref<83200000xf32, #tpu.memory_space<hbm>> -> memref<100000xf32, #tpu.memory_space<hbm>>
      %dma_start3A_482 = arith.constant 0 : i32
      %dma_start3A_483 = tpu.memref_slice %dma_start3A_481[%dma_start3A_482] : memref<100000xf32, #tpu.memory_space<hbm>> -> memref<100000xf32, #tpu.memory_space<hbm>>
      tpu.enqueue_indirect_dma source(%dma_start3A_483 : memref<100000xf32, #tpu.memory_space<hbm>>) target(%dma_start3A_480 : memref<128xf32, #tpu.memory_space<vmem>>) offsets(%arg6 : memref<128xi32, #tpu.memory_space<vmem>>) semaphore(%arg8 : memref<!tpu.dma_semaphore, #tpu.memory_space<semaphore_mem>>)
      %mul3A_484 = arith.constant 32 : i32
      %mul3A_485 = arith.muli %scan3A_11, %mul3A_484 : i32
      %add3A_486 = arith.constant 30 : i32
      %add3A_487 = arith.addi %mul3A_485, %add3A_486 : i32
      %mul3A_488 = arith.constant 100000 : i32
      %mul3A_489 = arith.muli %add3A_487, %mul3A_488 : i32
      %multiple_of3A_490 = tpu.assume_multiple %mul3A_489, 8 : i32
      %dma_start3A_491 = arith.constant 30 : i32
      %dma_start3A_492 = arith.constant 0 : i32
      %dma_start3A_493 = tpu.memref_slice %arg7[%dma_start3A_491, %dma_start3A_492] : memref<32x128xf32, #tpu.memory_space<vmem>> -> memref<1x128xf32, #tpu.memory_space<vmem>>
      %dma_start3A_494 = tpu.memref_squeeze %dma_start3A_493 : memref<1x128xf32, #tpu.memory_space<vmem>> -> memref<128xf32, #tpu.memory_space<vmem>>
      %dma_start3A_495 = tpu.memref_slice %arg3[%multiple_of3A_490] : memref<83200000xf32, #tpu.memory_space<hbm>> -> memref<100000xf32, #tpu.memory_space<hbm>>
      %dma_start3A_496 = arith.constant 0 : i32
      %dma_start3A_497 = tpu.memref_slice %dma_start3A_495[%dma_start3A_496] : memref<100000xf32, #tpu.memory_space<hbm>> -> memref<100000xf32, #tpu.memory_space<hbm>>
      tpu.enqueue_indirect_dma source(%dma_start3A_497 : memref<100000xf32, #tpu.memory_space<hbm>>) target(%dma_start3A_494 : memref<128xf32, #tpu.memory_space<vmem>>) offsets(%arg6 : memref<128xi32, #tpu.memory_space<vmem>>) semaphore(%arg8 : memref<!tpu.dma_semaphore, #tpu.memory_space<semaphore_mem>>)
      %mul3A_498 = arith.constant 32 : i32
      %mul3A_499 = arith.muli %scan3A_11, %mul3A_498 : i32
      %add3A_500 = arith.constant 31 : i32
      %add3A_501 = arith.addi %mul3A_499, %add3A_500 : i32
      %mul3A_502 = arith.constant 100000 : i32
      %mul3A_503 = arith.muli %add3A_501, %mul3A_502 : i32
      %multiple_of3A_504 = tpu.assume_multiple %mul3A_503, 8 : i32
      %dma_start3A_505 = arith.constant 31 : i32
      %dma_start3A_506 = arith.constant 0 : i32
      %dma_start3A_507 = tpu.memref_slice %arg7[%dma_start3A_505, %dma_start3A_506] : memref<32x128xf32, #tpu.memory_space<vmem>> -> memref<1x128xf32, #tpu.memory_space<vmem>>
      %dma_start3A_508 = tpu.memref_squeeze %dma_start3A_507 : memref<1x128xf32, #tpu.memory_space<vmem>> -> memref<128xf32, #tpu.memory_space<vmem>>
      %dma_start3A_509 = tpu.memref_slice %arg3[%multiple_of3A_504] : memref<83200000xf32, #tpu.memory_space<hbm>> -> memref<100000xf32, #tpu.memory_space<hbm>>
      %dma_start3A_510 = arith.constant 0 : i32
      %dma_start3A_511 = tpu.memref_slice %dma_start3A_509[%dma_start3A_510] : memref<100000xf32, #tpu.memory_space<hbm>> -> memref<100000xf32, #tpu.memory_space<hbm>>
      tpu.enqueue_indirect_dma source(%dma_start3A_511 : memref<100000xf32, #tpu.memory_space<hbm>>) target(%dma_start3A_508 : memref<128xf32, #tpu.memory_space<vmem>>) offsets(%arg6 : memref<128xi32, #tpu.memory_space<vmem>>) semaphore(%arg8 : memref<!tpu.dma_semaphore, #tpu.memory_space<semaphore_mem>>)
      %dma_wait3A = arith.constant 0 : i32
      %dma_wait3A_512 = arith.constant 0 : i32
      %dma_wait3A_513 = tpu.memref_slice %arg7[%dma_wait3A, %dma_wait3A_512] : memref<32x128xf32, #tpu.memory_space<vmem>> -> memref<1x128xf32, #tpu.memory_space<vmem>>
      %dma_wait3A_514 = tpu.memref_squeeze %dma_wait3A_513 : memref<1x128xf32, #tpu.memory_space<vmem>> -> memref<128xf32, #tpu.memory_space<vmem>>
      %dma_wait3A_515 = tpu.memref_slice %arg3[%multiple_of3A] : memref<83200000xf32, #tpu.memory_space<hbm>> -> memref<100000xf32, #tpu.memory_space<hbm>>
      %dma_wait3A_516 = arith.constant 0 : i32
      %dma_wait3A_517 = tpu.memref_slice %dma_wait3A_515[%dma_wait3A_516] : memref<100000xf32, #tpu.memory_space<hbm>> -> memref<100000xf32, #tpu.memory_space<hbm>>
      tpu.wait_indirect_dma semaphore(%arg8 : memref<!tpu.dma_semaphore, #tpu.memory_space<semaphore_mem>>) src(%dma_wait3A_517 : memref<100000xf32, #tpu.memory_space<hbm>>) dst(%dma_wait3A_514 : memref<128xf32, #tpu.memory_space<vmem>>)
      %dma_wait3A_518 = arith.constant 1 : i32
      %dma_wait3A_519 = arith.constant 0 : i32
      %dma_wait3A_520 = tpu.memref_slice %arg7[%dma_wait3A_518, %dma_wait3A_519] : memref<32x128xf32, #tpu.memory_space<vmem>> -> memref<1x128xf32, #tpu.memory_space<vmem>>
      %dma_wait3A_521 = tpu.memref_squeeze %dma_wait3A_520 : memref<1x128xf32, #tpu.memory_space<vmem>> -> memref<128xf32, #tpu.memory_space<vmem>>
      %dma_wait3A_522 = tpu.memref_slice %arg3[%multiple_of3A_84] : memref<83200000xf32, #tpu.memory_space<hbm>> -> memref<100000xf32, #tpu.memory_space<hbm>>
      %dma_wait3A_523 = arith.constant 0 : i32
      %dma_wait3A_524 = tpu.memref_slice %dma_wait3A_522[%dma_wait3A_523] : memref<100000xf32, #tpu.memory_space<hbm>> -> memref<100000xf32, #tpu.memory_space<hbm>>
      tpu.wait_indirect_dma semaphore(%arg8 : memref<!tpu.dma_semaphore, #tpu.memory_space<semaphore_mem>>) src(%dma_wait3A_524 : memref<100000xf32, #tpu.memory_space<hbm>>) dst(%dma_wait3A_521 : memref<128xf32, #tpu.memory_space<vmem>>)
      %dma_wait3A_525 = arith.constant 2 : i32
      %dma_wait3A_526 = arith.constant 0 : i32
      %dma_wait3A_527 = tpu.memref_slice %arg7[%dma_wait3A_525, %dma_wait3A_526] : memref<32x128xf32, #tpu.memory_space<vmem>> -> memref<1x128xf32, #tpu.memory_space<vmem>>
      %dma_wait3A_528 = tpu.memref_squeeze %dma_wait3A_527 : memref<1x128xf32, #tpu.memory_space<vmem>> -> memref<128xf32, #tpu.memory_space<vmem>>
      %dma_wait3A_529 = tpu.memref_slice %arg3[%multiple_of3A_98] : memref<83200000xf32, #tpu.memory_space<hbm>> -> memref<100000xf32, #tpu.memory_space<hbm>>
      %dma_wait3A_530 = arith.constant 0 : i32
      %dma_wait3A_531 = tpu.memref_slice %dma_wait3A_529[%dma_wait3A_530] : memref<100000xf32, #tpu.memory_space<hbm>> -> memref<100000xf32, #tpu.memory_space<hbm>>
      tpu.wait_indirect_dma semaphore(%arg8 : memref<!tpu.dma_semaphore, #tpu.memory_space<semaphore_mem>>) src(%dma_wait3A_531 : memref<100000xf32, #tpu.memory_space<hbm>>) dst(%dma_wait3A_528 : memref<128xf32, #tpu.memory_space<vmem>>)
      %dma_wait3A_532 = arith.constant 3 : i32
      %dma_wait3A_533 = arith.constant 0 : i32
      %dma_wait3A_534 = tpu.memref_slice %arg7[%dma_wait3A_532, %dma_wait3A_533] : memref<32x128xf32, #tpu.memory_space<vmem>> -> memref<1x128xf32, #tpu.memory_space<vmem>>
      %dma_wait3A_535 = tpu.memref_squeeze %dma_wait3A_534 : memref<1x128xf32, #tpu.memory_space<vmem>> -> memref<128xf32, #tpu.memory_space<vmem>>
      %dma_wait3A_536 = tpu.memref_slice %arg3[%multiple_of3A_112] : memref<83200000xf32, #tpu.memory_space<hbm>> -> memref<100000xf32, #tpu.memory_space<hbm>>
      %dma_wait3A_537 = arith.constant 0 : i32
      %dma_wait3A_538 = tpu.memref_slice %dma_wait3A_536[%dma_wait3A_537] : memref<100000xf32, #tpu.memory_space<hbm>> -> memref<100000xf32, #tpu.memory_space<hbm>>
      tpu.wait_indirect_dma semaphore(%arg8 : memref<!tpu.dma_semaphore, #tpu.memory_space<semaphore_mem>>) src(%dma_wait3A_538 : memref<100000xf32, #tpu.memory_space<hbm>>) dst(%dma_wait3A_535 : memref<128xf32, #tpu.memory_space<vmem>>)
      %dma_wait3A_539 = arith.constant 4 : i32
      %dma_wait3A_540 = arith.constant 0 : i32
      %dma_wait3A_541 = tpu.memref_slice %arg7[%dma_wait3A_539, %dma_wait3A_540] : memref<32x128xf32, #tpu.memory_space<vmem>> -> memref<1x128xf32, #tpu.memory_space<vmem>>
      %dma_wait3A_542 = tpu.memref_squeeze %dma_wait3A_541 : memref<1x128xf32, #tpu.memory_space<vmem>> -> memref<128xf32, #tpu.memory_space<vmem>>
      %dma_wait3A_543 = tpu.memref_slice %arg3[%multiple_of3A_126] : memref<83200000xf32, #tpu.memory_space<hbm>> -> memref<100000xf32, #tpu.memory_space<hbm>>
      %dma_wait3A_544 = arith.constant 0 : i32
      %dma_wait3A_545 = tpu.memref_slice %dma_wait3A_543[%dma_wait3A_544] : memref<100000xf32, #tpu.memory_space<hbm>> -> memref<100000xf32, #tpu.memory_space<hbm>>
      tpu.wait_indirect_dma semaphore(%arg8 : memref<!tpu.dma_semaphore, #tpu.memory_space<semaphore_mem>>) src(%dma_wait3A_545 : memref<100000xf32, #tpu.memory_space<hbm>>) dst(%dma_wait3A_542 : memref<128xf32, #tpu.memory_space<vmem>>)
      %dma_wait3A_546 = arith.constant 5 : i32
      %dma_wait3A_547 = arith.constant 0 : i32
      %dma_wait3A_548 = tpu.memref_slice %arg7[%dma_wait3A_546, %dma_wait3A_547] : memref<32x128xf32, #tpu.memory_space<vmem>> -> memref<1x128xf32, #tpu.memory_space<vmem>>
      %dma_wait3A_549 = tpu.memref_squeeze %dma_wait3A_548 : memref<1x128xf32, #tpu.memory_space<vmem>> -> memref<128xf32, #tpu.memory_space<vmem>>
      %dma_wait3A_550 = tpu.memref_slice %arg3[%multiple_of3A_140] : memref<83200000xf32, #tpu.memory_space<hbm>> -> memref<100000xf32, #tpu.memory_space<hbm>>
      %dma_wait3A_551 = arith.constant 0 : i32
      %dma_wait3A_552 = tpu.memref_slice %dma_wait3A_550[%dma_wait3A_551] : memref<100000xf32, #tpu.memory_space<hbm>> -> memref<100000xf32, #tpu.memory_space<hbm>>
      tpu.wait_indirect_dma semaphore(%arg8 : memref<!tpu.dma_semaphore, #tpu.memory_space<semaphore_mem>>) src(%dma_wait3A_552 : memref<100000xf32, #tpu.memory_space<hbm>>) dst(%dma_wait3A_549 : memref<128xf32, #tpu.memory_space<vmem>>)
      %dma_wait3A_553 = arith.constant 6 : i32
      %dma_wait3A_554 = arith.constant 0 : i32
      %dma_wait3A_555 = tpu.memref_slice %arg7[%dma_wait3A_553, %dma_wait3A_554] : memref<32x128xf32, #tpu.memory_space<vmem>> -> memref<1x128xf32, #tpu.memory_space<vmem>>
      %dma_wait3A_556 = tpu.memref_squeeze %dma_wait3A_555 : memref<1x128xf32, #tpu.memory_space<vmem>> -> memref<128xf32, #tpu.memory_space<vmem>>
      %dma_wait3A_557 = tpu.memref_slice %arg3[%multiple_of3A_154] : memref<83200000xf32, #tpu.memory_space<hbm>> -> memref<100000xf32, #tpu.memory_space<hbm>>
      %dma_wait3A_558 = arith.constant 0 : i32
      %dma_wait3A_559 = tpu.memref_slice %dma_wait3A_557[%dma_wait3A_558] : memref<100000xf32, #tpu.memory_space<hbm>> -> memref<100000xf32, #tpu.memory_space<hbm>>
      tpu.wait_indirect_dma semaphore(%arg8 : memref<!tpu.dma_semaphore, #tpu.memory_space<semaphore_mem>>) src(%dma_wait3A_559 : memref<100000xf32, #tpu.memory_space<hbm>>) dst(%dma_wait3A_556 : memref<128xf32, #tpu.memory_space<vmem>>)
      %dma_wait3A_560 = arith.constant 7 : i32
      %dma_wait3A_561 = arith.constant 0 : i32
      %dma_wait3A_562 = tpu.memref_slice %arg7[%dma_wait3A_560, %dma_wait3A_561] : memref<32x128xf32, #tpu.memory_space<vmem>> -> memref<1x128xf32, #tpu.memory_space<vmem>>
      %dma_wait3A_563 = tpu.memref_squeeze %dma_wait3A_562 : memref<1x128xf32, #tpu.memory_space<vmem>> -> memref<128xf32, #tpu.memory_space<vmem>>
      %dma_wait3A_564 = tpu.memref_slice %arg3[%multiple_of3A_168] : memref<83200000xf32, #tpu.memory_space<hbm>> -> memref<100000xf32, #tpu.memory_space<hbm>>
      %dma_wait3A_565 = arith.constant 0 : i32
      %dma_wait3A_566 = tpu.memref_slice %dma_wait3A_564[%dma_wait3A_565] : memref<100000xf32, #tpu.memory_space<hbm>> -> memref<100000xf32, #tpu.memory_space<hbm>>
      tpu.wait_indirect_dma semaphore(%arg8 : memref<!tpu.dma_semaphore, #tpu.memory_space<semaphore_mem>>) src(%dma_wait3A_566 : memref<100000xf32, #tpu.memory_space<hbm>>) dst(%dma_wait3A_563 : memref<128xf32, #tpu.memory_space<vmem>>)
      %dma_wait3A_567 = arith.constant 8 : i32
      %dma_wait3A_568 = arith.constant 0 : i32
      %dma_wait3A_569 = tpu.memref_slice %arg7[%dma_wait3A_567, %dma_wait3A_568] : memref<32x128xf32, #tpu.memory_space<vmem>> -> memref<1x128xf32, #tpu.memory_space<vmem>>
      %dma_wait3A_570 = tpu.memref_squeeze %dma_wait3A_569 : memref<1x128xf32, #tpu.memory_space<vmem>> -> memref<128xf32, #tpu.memory_space<vmem>>
      %dma_wait3A_571 = tpu.memref_slice %arg3[%multiple_of3A_182] : memref<83200000xf32, #tpu.memory_space<hbm>> -> memref<100000xf32, #tpu.memory_space<hbm>>
      %dma_wait3A_572 = arith.constant 0 : i32
      %dma_wait3A_573 = tpu.memref_slice %dma_wait3A_571[%dma_wait3A_572] : memref<100000xf32, #tpu.memory_space<hbm>> -> memref<100000xf32, #tpu.memory_space<hbm>>
      tpu.wait_indirect_dma semaphore(%arg8 : memref<!tpu.dma_semaphore, #tpu.memory_space<semaphore_mem>>) src(%dma_wait3A_573 : memref<100000xf32, #tpu.memory_space<hbm>>) dst(%dma_wait3A_570 : memref<128xf32, #tpu.memory_space<vmem>>)
      %dma_wait3A_574 = arith.constant 9 : i32
      %dma_wait3A_575 = arith.constant 0 : i32
      %dma_wait3A_576 = tpu.memref_slice %arg7[%dma_wait3A_574, %dma_wait3A_575] : memref<32x128xf32, #tpu.memory_space<vmem>> -> memref<1x128xf32, #tpu.memory_space<vmem>>
      %dma_wait3A_577 = tpu.memref_squeeze %dma_wait3A_576 : memref<1x128xf32, #tpu.memory_space<vmem>> -> memref<128xf32, #tpu.memory_space<vmem>>
      %dma_wait3A_578 = tpu.memref_slice %arg3[%multiple_of3A_196] : memref<83200000xf32, #tpu.memory_space<hbm>> -> memref<100000xf32, #tpu.memory_space<hbm>>
      %dma_wait3A_579 = arith.constant 0 : i32
      %dma_wait3A_580 = tpu.memref_slice %dma_wait3A_578[%dma_wait3A_579] : memref<100000xf32, #tpu.memory_space<hbm>> -> memref<100000xf32, #tpu.memory_space<hbm>>
      tpu.wait_indirect_dma semaphore(%arg8 : memref<!tpu.dma_semaphore, #tpu.memory_space<semaphore_mem>>) src(%dma_wait3A_580 : memref<100000xf32, #tpu.memory_space<hbm>>) dst(%dma_wait3A_577 : memref<128xf32, #tpu.memory_space<vmem>>)
      %dma_wait3A_581 = arith.constant 10 : i32
      %dma_wait3A_582 = arith.constant 0 : i32
      %dma_wait3A_583 = tpu.memref_slice %arg7[%dma_wait3A_581, %dma_wait3A_582] : memref<32x128xf32, #tpu.memory_space<vmem>> -> memref<1x128xf32, #tpu.memory_space<vmem>>
      %dma_wait3A_584 = tpu.memref_squeeze %dma_wait3A_583 : memref<1x128xf32, #tpu.memory_space<vmem>> -> memref<128xf32, #tpu.memory_space<vmem>>
      %dma_wait3A_585 = tpu.memref_slice %arg3[%multiple_of3A_210] : memref<83200000xf32, #tpu.memory_space<hbm>> -> memref<100000xf32, #tpu.memory_space<hbm>>
      %dma_wait3A_586 = arith.constant 0 : i32
      %dma_wait3A_587 = tpu.memref_slice %dma_wait3A_585[%dma_wait3A_586] : memref<100000xf32, #tpu.memory_space<hbm>> -> memref<100000xf32, #tpu.memory_space<hbm>>
      tpu.wait_indirect_dma semaphore(%arg8 : memref<!tpu.dma_semaphore, #tpu.memory_space<semaphore_mem>>) src(%dma_wait3A_587 : memref<100000xf32, #tpu.memory_space<hbm>>) dst(%dma_wait3A_584 : memref<128xf32, #tpu.memory_space<vmem>>)
      %dma_wait3A_588 = arith.constant 11 : i32
      %dma_wait3A_589 = arith.constant 0 : i32
      %dma_wait3A_590 = tpu.memref_slice %arg7[%dma_wait3A_588, %dma_wait3A_589] : memref<32x128xf32, #tpu.memory_space<vmem>> -> memref<1x128xf32, #tpu.memory_space<vmem>>
      %dma_wait3A_591 = tpu.memref_squeeze %dma_wait3A_590 : memref<1x128xf32, #tpu.memory_space<vmem>> -> memref<128xf32, #tpu.memory_space<vmem>>
      %dma_wait3A_592 = tpu.memref_slice %arg3[%multiple_of3A_224] : memref<83200000xf32, #tpu.memory_space<hbm>> -> memref<100000xf32, #tpu.memory_space<hbm>>
      %dma_wait3A_593 = arith.constant 0 : i32
      %dma_wait3A_594 = tpu.memref_slice %dma_wait3A_592[%dma_wait3A_593] : memref<100000xf32, #tpu.memory_space<hbm>> -> memref<100000xf32, #tpu.memory_space<hbm>>
      tpu.wait_indirect_dma semaphore(%arg8 : memref<!tpu.dma_semaphore, #tpu.memory_space<semaphore_mem>>) src(%dma_wait3A_594 : memref<100000xf32, #tpu.memory_space<hbm>>) dst(%dma_wait3A_591 : memref<128xf32, #tpu.memory_space<vmem>>)
      %dma_wait3A_595 = arith.constant 12 : i32
      %dma_wait3A_596 = arith.constant 0 : i32
      %dma_wait3A_597 = tpu.memref_slice %arg7[%dma_wait3A_595, %dma_wait3A_596] : memref<32x128xf32, #tpu.memory_space<vmem>> -> memref<1x128xf32, #tpu.memory_space<vmem>>
      %dma_wait3A_598 = tpu.memref_squeeze %dma_wait3A_597 : memref<1x128xf32, #tpu.memory_space<vmem>> -> memref<128xf32, #tpu.memory_space<vmem>>
      %dma_wait3A_599 = tpu.memref_slice %arg3[%multiple_of3A_238] : memref<83200000xf32, #tpu.memory_space<hbm>> -> memref<100000xf32, #tpu.memory_space<hbm>>
      %dma_wait3A_600 = arith.constant 0 : i32
      %dma_wait3A_601 = tpu.memref_slice %dma_wait3A_599[%dma_wait3A_600] : memref<100000xf32, #tpu.memory_space<hbm>> -> memref<100000xf32, #tpu.memory_space<hbm>>
      tpu.wait_indirect_dma semaphore(%arg8 : memref<!tpu.dma_semaphore, #tpu.memory_space<semaphore_mem>>) src(%dma_wait3A_601 : memref<100000xf32, #tpu.memory_space<hbm>>) dst(%dma_wait3A_598 : memref<128xf32, #tpu.memory_space<vmem>>)
      %dma_wait3A_602 = arith.constant 13 : i32
      %dma_wait3A_603 = arith.constant 0 : i32
      %dma_wait3A_604 = tpu.memref_slice %arg7[%dma_wait3A_602, %dma_wait3A_603] : memref<32x128xf32, #tpu.memory_space<vmem>> -> memref<1x128xf32, #tpu.memory_space<vmem>>
      %dma_wait3A_605 = tpu.memref_squeeze %dma_wait3A_604 : memref<1x128xf32, #tpu.memory_space<vmem>> -> memref<128xf32, #tpu.memory_space<vmem>>
      %dma_wait3A_606 = tpu.memref_slice %arg3[%multiple_of3A_252] : memref<83200000xf32, #tpu.memory_space<hbm>> -> memref<100000xf32, #tpu.memory_space<hbm>>
      %dma_wait3A_607 = arith.constant 0 : i32
      %dma_wait3A_608 = tpu.memref_slice %dma_wait3A_606[%dma_wait3A_607] : memref<100000xf32, #tpu.memory_space<hbm>> -> memref<100000xf32, #tpu.memory_space<hbm>>
      tpu.wait_indirect_dma semaphore(%arg8 : memref<!tpu.dma_semaphore, #tpu.memory_space<semaphore_mem>>) src(%dma_wait3A_608 : memref<100000xf32, #tpu.memory_space<hbm>>) dst(%dma_wait3A_605 : memref<128xf32, #tpu.memory_space<vmem>>)
      %dma_wait3A_609 = arith.constant 14 : i32
      %dma_wait3A_610 = arith.constant 0 : i32
      %dma_wait3A_611 = tpu.memref_slice %arg7[%dma_wait3A_609, %dma_wait3A_610] : memref<32x128xf32, #tpu.memory_space<vmem>> -> memref<1x128xf32, #tpu.memory_space<vmem>>
      %dma_wait3A_612 = tpu.memref_squeeze %dma_wait3A_611 : memref<1x128xf32, #tpu.memory_space<vmem>> -> memref<128xf32, #tpu.memory_space<vmem>>
      %dma_wait3A_613 = tpu.memref_slice %arg3[%multiple_of3A_266] : memref<83200000xf32, #tpu.memory_space<hbm>> -> memref<100000xf32, #tpu.memory_space<hbm>>
      %dma_wait3A_614 = arith.constant 0 : i32
      %dma_wait3A_615 = tpu.memref_slice %dma_wait3A_613[%dma_wait3A_614] : memref<100000xf32, #tpu.memory_space<hbm>> -> memref<100000xf32, #tpu.memory_space<hbm>>
      tpu.wait_indirect_dma semaphore(%arg8 : memref<!tpu.dma_semaphore, #tpu.memory_space<semaphore_mem>>) src(%dma_wait3A_615 : memref<100000xf32, #tpu.memory_space<hbm>>) dst(%dma_wait3A_612 : memref<128xf32, #tpu.memory_space<vmem>>)
      %dma_wait3A_616 = arith.constant 15 : i32
      %dma_wait3A_617 = arith.constant 0 : i32
      %dma_wait3A_618 = tpu.memref_slice %arg7[%dma_wait3A_616, %dma_wait3A_617] : memref<32x128xf32, #tpu.memory_space<vmem>> -> memref<1x128xf32, #tpu.memory_space<vmem>>
      %dma_wait3A_619 = tpu.memref_squeeze %dma_wait3A_618 : memref<1x128xf32, #tpu.memory_space<vmem>> -> memref<128xf32, #tpu.memory_space<vmem>>
      %dma_wait3A_620 = tpu.memref_slice %arg3[%multiple_of3A_280] : memref<83200000xf32, #tpu.memory_space<hbm>> -> memref<100000xf32, #tpu.memory_space<hbm>>
      %dma_wait3A_621 = arith.constant 0 : i32
      %dma_wait3A_622 = tpu.memref_slice %dma_wait3A_620[%dma_wait3A_621] : memref<100000xf32, #tpu.memory_space<hbm>> -> memref<100000xf32, #tpu.memory_space<hbm>>
      tpu.wait_indirect_dma semaphore(%arg8 : memref<!tpu.dma_semaphore, #tpu.memory_space<semaphore_mem>>) src(%dma_wait3A_622 : memref<100000xf32, #tpu.memory_space<hbm>>) dst(%dma_wait3A_619 : memref<128xf32, #tpu.memory_space<vmem>>)
      %dma_wait3A_623 = arith.constant 16 : i32
      %dma_wait3A_624 = arith.constant 0 : i32
      %dma_wait3A_625 = tpu.memref_slice %arg7[%dma_wait3A_623, %dma_wait3A_624] : memref<32x128xf32, #tpu.memory_space<vmem>> -> memref<1x128xf32, #tpu.memory_space<vmem>>
      %dma_wait3A_626 = tpu.memref_squeeze %dma_wait3A_625 : memref<1x128xf32, #tpu.memory_space<vmem>> -> memref<128xf32, #tpu.memory_space<vmem>>
      %dma_wait3A_627 = tpu.memref_slice %arg3[%multiple_of3A_294] : memref<83200000xf32, #tpu.memory_space<hbm>> -> memref<100000xf32, #tpu.memory_space<hbm>>
      %dma_wait3A_628 = arith.constant 0 : i32
      %dma_wait3A_629 = tpu.memref_slice %dma_wait3A_627[%dma_wait3A_628] : memref<100000xf32, #tpu.memory_space<hbm>> -> memref<100000xf32, #tpu.memory_space<hbm>>
      tpu.wait_indirect_dma semaphore(%arg8 : memref<!tpu.dma_semaphore, #tpu.memory_space<semaphore_mem>>) src(%dma_wait3A_629 : memref<100000xf32, #tpu.memory_space<hbm>>) dst(%dma_wait3A_626 : memref<128xf32, #tpu.memory_space<vmem>>)
      %dma_wait3A_630 = arith.constant 17 : i32
      %dma_wait3A_631 = arith.constant 0 : i32
      %dma_wait3A_632 = tpu.memref_slice %arg7[%dma_wait3A_630, %dma_wait3A_631] : memref<32x128xf32, #tpu.memory_space<vmem>> -> memref<1x128xf32, #tpu.memory_space<vmem>>
      %dma_wait3A_633 = tpu.memref_squeeze %dma_wait3A_632 : memref<1x128xf32, #tpu.memory_space<vmem>> -> memref<128xf32, #tpu.memory_space<vmem>>
      %dma_wait3A_634 = tpu.memref_slice %arg3[%multiple_of3A_308] : memref<83200000xf32, #tpu.memory_space<hbm>> -> memref<100000xf32, #tpu.memory_space<hbm>>
      %dma_wait3A_635 = arith.constant 0 : i32
      %dma_wait3A_636 = tpu.memref_slice %dma_wait3A_634[%dma_wait3A_635] : memref<100000xf32, #tpu.memory_space<hbm>> -> memref<100000xf32, #tpu.memory_space<hbm>>
      tpu.wait_indirect_dma semaphore(%arg8 : memref<!tpu.dma_semaphore, #tpu.memory_space<semaphore_mem>>) src(%dma_wait3A_636 : memref<100000xf32, #tpu.memory_space<hbm>>) dst(%dma_wait3A_633 : memref<128xf32, #tpu.memory_space<vmem>>)
      %dma_wait3A_637 = arith.constant 18 : i32
      %dma_wait3A_638 = arith.constant 0 : i32
      %dma_wait3A_639 = tpu.memref_slice %arg7[%dma_wait3A_637, %dma_wait3A_638] : memref<32x128xf32, #tpu.memory_space<vmem>> -> memref<1x128xf32, #tpu.memory_space<vmem>>
      %dma_wait3A_640 = tpu.memref_squeeze %dma_wait3A_639 : memref<1x128xf32, #tpu.memory_space<vmem>> -> memref<128xf32, #tpu.memory_space<vmem>>
      %dma_wait3A_641 = tpu.memref_slice %arg3[%multiple_of3A_322] : memref<83200000xf32, #tpu.memory_space<hbm>> -> memref<100000xf32, #tpu.memory_space<hbm>>
      %dma_wait3A_642 = arith.constant 0 : i32
      %dma_wait3A_643 = tpu.memref_slice %dma_wait3A_641[%dma_wait3A_642] : memref<100000xf32, #tpu.memory_space<hbm>> -> memref<100000xf32, #tpu.memory_space<hbm>>
      tpu.wait_indirect_dma semaphore(%arg8 : memref<!tpu.dma_semaphore, #tpu.memory_space<semaphore_mem>>) src(%dma_wait3A_643 : memref<100000xf32, #tpu.memory_space<hbm>>) dst(%dma_wait3A_640 : memref<128xf32, #tpu.memory_space<vmem>>)
      %dma_wait3A_644 = arith.constant 19 : i32
      %dma_wait3A_645 = arith.constant 0 : i32
      %dma_wait3A_646 = tpu.memref_slice %arg7[%dma_wait3A_644, %dma_wait3A_645] : memref<32x128xf32, #tpu.memory_space<vmem>> -> memref<1x128xf32, #tpu.memory_space<vmem>>
      %dma_wait3A_647 = tpu.memref_squeeze %dma_wait3A_646 : memref<1x128xf32, #tpu.memory_space<vmem>> -> memref<128xf32, #tpu.memory_space<vmem>>
      %dma_wait3A_648 = tpu.memref_slice %arg3[%multiple_of3A_336] : memref<83200000xf32, #tpu.memory_space<hbm>> -> memref<100000xf32, #tpu.memory_space<hbm>>
      %dma_wait3A_649 = arith.constant 0 : i32
      %dma_wait3A_650 = tpu.memref_slice %dma_wait3A_648[%dma_wait3A_649] : memref<100000xf32, #tpu.memory_space<hbm>> -> memref<100000xf32, #tpu.memory_space<hbm>>
      tpu.wait_indirect_dma semaphore(%arg8 : memref<!tpu.dma_semaphore, #tpu.memory_space<semaphore_mem>>) src(%dma_wait3A_650 : memref<100000xf32, #tpu.memory_space<hbm>>) dst(%dma_wait3A_647 : memref<128xf32, #tpu.memory_space<vmem>>)
      %dma_wait3A_651 = arith.constant 20 : i32
      %dma_wait3A_652 = arith.constant 0 : i32
      %dma_wait3A_653 = tpu.memref_slice %arg7[%dma_wait3A_651, %dma_wait3A_652] : memref<32x128xf32, #tpu.memory_space<vmem>> -> memref<1x128xf32, #tpu.memory_space<vmem>>
      %dma_wait3A_654 = tpu.memref_squeeze %dma_wait3A_653 : memref<1x128xf32, #tpu.memory_space<vmem>> -> memref<128xf32, #tpu.memory_space<vmem>>
      %dma_wait3A_655 = tpu.memref_slice %arg3[%multiple_of3A_350] : memref<83200000xf32, #tpu.memory_space<hbm>> -> memref<100000xf32, #tpu.memory_space<hbm>>
      %dma_wait3A_656 = arith.constant 0 : i32
      %dma_wait3A_657 = tpu.memref_slice %dma_wait3A_655[%dma_wait3A_656] : memref<100000xf32, #tpu.memory_space<hbm>> -> memref<100000xf32, #tpu.memory_space<hbm>>
      tpu.wait_indirect_dma semaphore(%arg8 : memref<!tpu.dma_semaphore, #tpu.memory_space<semaphore_mem>>) src(%dma_wait3A_657 : memref<100000xf32, #tpu.memory_space<hbm>>) dst(%dma_wait3A_654 : memref<128xf32, #tpu.memory_space<vmem>>)
      %dma_wait3A_658 = arith.constant 21 : i32
      %dma_wait3A_659 = arith.constant 0 : i32
      %dma_wait3A_660 = tpu.memref_slice %arg7[%dma_wait3A_658, %dma_wait3A_659] : memref<32x128xf32, #tpu.memory_space<vmem>> -> memref<1x128xf32, #tpu.memory_space<vmem>>
      %dma_wait3A_661 = tpu.memref_squeeze %dma_wait3A_660 : memref<1x128xf32, #tpu.memory_space<vmem>> -> memref<128xf32, #tpu.memory_space<vmem>>
      %dma_wait3A_662 = tpu.memref_slice %arg3[%multiple_of3A_364] : memref<83200000xf32, #tpu.memory_space<hbm>> -> memref<100000xf32, #tpu.memory_space<hbm>>
      %dma_wait3A_663 = arith.constant 0 : i32
      %dma_wait3A_664 = tpu.memref_slice %dma_wait3A_662[%dma_wait3A_663] : memref<100000xf32, #tpu.memory_space<hbm>> -> memref<100000xf32, #tpu.memory_space<hbm>>
      tpu.wait_indirect_dma semaphore(%arg8 : memref<!tpu.dma_semaphore, #tpu.memory_space<semaphore_mem>>) src(%dma_wait3A_664 : memref<100000xf32, #tpu.memory_space<hbm>>) dst(%dma_wait3A_661 : memref<128xf32, #tpu.memory_space<vmem>>)
      %dma_wait3A_665 = arith.constant 22 : i32
      %dma_wait3A_666 = arith.constant 0 : i32
      %dma_wait3A_667 = tpu.memref_slice %arg7[%dma_wait3A_665, %dma_wait3A_666] : memref<32x128xf32, #tpu.memory_space<vmem>> -> memref<1x128xf32, #tpu.memory_space<vmem>>
      %dma_wait3A_668 = tpu.memref_squeeze %dma_wait3A_667 : memref<1x128xf32, #tpu.memory_space<vmem>> -> memref<128xf32, #tpu.memory_space<vmem>>
      %dma_wait3A_669 = tpu.memref_slice %arg3[%multiple_of3A_378] : memref<83200000xf32, #tpu.memory_space<hbm>> -> memref<100000xf32, #tpu.memory_space<hbm>>
      %dma_wait3A_670 = arith.constant 0 : i32
      %dma_wait3A_671 = tpu.memref_slice %dma_wait3A_669[%dma_wait3A_670] : memref<100000xf32, #tpu.memory_space<hbm>> -> memref<100000xf32, #tpu.memory_space<hbm>>
      tpu.wait_indirect_dma semaphore(%arg8 : memref<!tpu.dma_semaphore, #tpu.memory_space<semaphore_mem>>) src(%dma_wait3A_671 : memref<100000xf32, #tpu.memory_space<hbm>>) dst(%dma_wait3A_668 : memref<128xf32, #tpu.memory_space<vmem>>)
      %dma_wait3A_672 = arith.constant 23 : i32
      %dma_wait3A_673 = arith.constant 0 : i32
      %dma_wait3A_674 = tpu.memref_slice %arg7[%dma_wait3A_672, %dma_wait3A_673] : memref<32x128xf32, #tpu.memory_space<vmem>> -> memref<1x128xf32, #tpu.memory_space<vmem>>
      %dma_wait3A_675 = tpu.memref_squeeze %dma_wait3A_674 : memref<1x128xf32, #tpu.memory_space<vmem>> -> memref<128xf32, #tpu.memory_space<vmem>>
      %dma_wait3A_676 = tpu.memref_slice %arg3[%multiple_of3A_392] : memref<83200000xf32, #tpu.memory_space<hbm>> -> memref<100000xf32, #tpu.memory_space<hbm>>
      %dma_wait3A_677 = arith.constant 0 : i32
      %dma_wait3A_678 = tpu.memref_slice %dma_wait3A_676[%dma_wait3A_677] : memref<100000xf32, #tpu.memory_space<hbm>> -> memref<100000xf32, #tpu.memory_space<hbm>>
      tpu.wait_indirect_dma semaphore(%arg8 : memref<!tpu.dma_semaphore, #tpu.memory_space<semaphore_mem>>) src(%dma_wait3A_678 : memref<100000xf32, #tpu.memory_space<hbm>>) dst(%dma_wait3A_675 : memref<128xf32, #tpu.memory_space<vmem>>)
      %dma_wait3A_679 = arith.constant 24 : i32
      %dma_wait3A_680 = arith.constant 0 : i32
      %dma_wait3A_681 = tpu.memref_slice %arg7[%dma_wait3A_679, %dma_wait3A_680] : memref<32x128xf32, #tpu.memory_space<vmem>> -> memref<1x128xf32, #tpu.memory_space<vmem>>
      %dma_wait3A_682 = tpu.memref_squeeze %dma_wait3A_681 : memref<1x128xf32, #tpu.memory_space<vmem>> -> memref<128xf32, #tpu.memory_space<vmem>>
      %dma_wait3A_683 = tpu.memref_slice %arg3[%multiple_of3A_406] : memref<83200000xf32, #tpu.memory_space<hbm>> -> memref<100000xf32, #tpu.memory_space<hbm>>
      %dma_wait3A_684 = arith.constant 0 : i32
      %dma_wait3A_685 = tpu.memref_slice %dma_wait3A_683[%dma_wait3A_684] : memref<100000xf32, #tpu.memory_space<hbm>> -> memref<100000xf32, #tpu.memory_space<hbm>>
      tpu.wait_indirect_dma semaphore(%arg8 : memref<!tpu.dma_semaphore, #tpu.memory_space<semaphore_mem>>) src(%dma_wait3A_685 : memref<100000xf32, #tpu.memory_space<hbm>>) dst(%dma_wait3A_682 : memref<128xf32, #tpu.memory_space<vmem>>)
      %dma_wait3A_686 = arith.constant 25 : i32
      %dma_wait3A_687 = arith.constant 0 : i32
      %dma_wait3A_688 = tpu.memref_slice %arg7[%dma_wait3A_686, %dma_wait3A_687] : memref<32x128xf32, #tpu.memory_space<vmem>> -> memref<1x128xf32, #tpu.memory_space<vmem>>
      %dma_wait3A_689 = tpu.memref_squeeze %dma_wait3A_688 : memref<1x128xf32, #tpu.memory_space<vmem>> -> memref<128xf32, #tpu.memory_space<vmem>>
      %dma_wait3A_690 = tpu.memref_slice %arg3[%multiple_of3A_420] : memref<83200000xf32, #tpu.memory_space<hbm>> -> memref<100000xf32, #tpu.memory_space<hbm>>
      %dma_wait3A_691 = arith.constant 0 : i32
      %dma_wait3A_692 = tpu.memref_slice %dma_wait3A_690[%dma_wait3A_691] : memref<100000xf32, #tpu.memory_space<hbm>> -> memref<100000xf32, #tpu.memory_space<hbm>>
      tpu.wait_indirect_dma semaphore(%arg8 : memref<!tpu.dma_semaphore, #tpu.memory_space<semaphore_mem>>) src(%dma_wait3A_692 : memref<100000xf32, #tpu.memory_space<hbm>>) dst(%dma_wait3A_689 : memref<128xf32, #tpu.memory_space<vmem>>)
      %dma_wait3A_693 = arith.constant 26 : i32
      %dma_wait3A_694 = arith.constant 0 : i32
      %dma_wait3A_695 = tpu.memref_slice %arg7[%dma_wait3A_693, %dma_wait3A_694] : memref<32x128xf32, #tpu.memory_space<vmem>> -> memref<1x128xf32, #tpu.memory_space<vmem>>
      %dma_wait3A_696 = tpu.memref_squeeze %dma_wait3A_695 : memref<1x128xf32, #tpu.memory_space<vmem>> -> memref<128xf32, #tpu.memory_space<vmem>>
      %dma_wait3A_697 = tpu.memref_slice %arg3[%multiple_of3A_434] : memref<83200000xf32, #tpu.memory_space<hbm>> -> memref<100000xf32, #tpu.memory_space<hbm>>
      %dma_wait3A_698 = arith.constant 0 : i32
      %dma_wait3A_699 = tpu.memref_slice %dma_wait3A_697[%dma_wait3A_698] : memref<100000xf32, #tpu.memory_space<hbm>> -> memref<100000xf32, #tpu.memory_space<hbm>>
      tpu.wait_indirect_dma semaphore(%arg8 : memref<!tpu.dma_semaphore, #tpu.memory_space<semaphore_mem>>) src(%dma_wait3A_699 : memref<100000xf32, #tpu.memory_space<hbm>>) dst(%dma_wait3A_696 : memref<128xf32, #tpu.memory_space<vmem>>)
      %dma_wait3A_700 = arith.constant 27 : i32
      %dma_wait3A_701 = arith.constant 0 : i32
      %dma_wait3A_702 = tpu.memref_slice %arg7[%dma_wait3A_700, %dma_wait3A_701] : memref<32x128xf32, #tpu.memory_space<vmem>> -> memref<1x128xf32, #tpu.memory_space<vmem>>
      %dma_wait3A_703 = tpu.memref_squeeze %dma_wait3A_702 : memref<1x128xf32, #tpu.memory_space<vmem>> -> memref<128xf32, #tpu.memory_space<vmem>>
      %dma_wait3A_704 = tpu.memref_slice %arg3[%multiple_of3A_448] : memref<83200000xf32, #tpu.memory_space<hbm>> -> memref<100000xf32, #tpu.memory_space<hbm>>
      %dma_wait3A_705 = arith.constant 0 : i32
      %dma_wait3A_706 = tpu.memref_slice %dma_wait3A_704[%dma_wait3A_705] : memref<100000xf32, #tpu.memory_space<hbm>> -> memref<100000xf32, #tpu.memory_space<hbm>>
      tpu.wait_indirect_dma semaphore(%arg8 : memref<!tpu.dma_semaphore, #tpu.memory_space<semaphore_mem>>) src(%dma_wait3A_706 : memref<100000xf32, #tpu.memory_space<hbm>>) dst(%dma_wait3A_703 : memref<128xf32, #tpu.memory_space<vmem>>)
      %dma_wait3A_707 = arith.constant 28 : i32
      %dma_wait3A_708 = arith.constant 0 : i32
      %dma_wait3A_709 = tpu.memref_slice %arg7[%dma_wait3A_707, %dma_wait3A_708] : memref<32x128xf32, #tpu.memory_space<vmem>> -> memref<1x128xf32, #tpu.memory_space<vmem>>
      %dma_wait3A_710 = tpu.memref_squeeze %dma_wait3A_709 : memref<1x128xf32, #tpu.memory_space<vmem>> -> memref<128xf32, #tpu.memory_space<vmem>>
      %dma_wait3A_711 = tpu.memref_slice %arg3[%multiple_of3A_462] : memref<83200000xf32, #tpu.memory_space<hbm>> -> memref<100000xf32, #tpu.memory_space<hbm>>
      %dma_wait3A_712 = arith.constant 0 : i32
      %dma_wait3A_713 = tpu.memref_slice %dma_wait3A_711[%dma_wait3A_712] : memref<100000xf32, #tpu.memory_space<hbm>> -> memref<100000xf32, #tpu.memory_space<hbm>>
      tpu.wait_indirect_dma semaphore(%arg8 : memref<!tpu.dma_semaphore, #tpu.memory_space<semaphore_mem>>) src(%dma_wait3A_713 : memref<100000xf32, #tpu.memory_space<hbm>>) dst(%dma_wait3A_710 : memref<128xf32, #tpu.memory_space<vmem>>)
      %dma_wait3A_714 = arith.constant 29 : i32
      %dma_wait3A_715 = arith.constant 0 : i32
      %dma_wait3A_716 = tpu.memref_slice %arg7[%dma_wait3A_714, %dma_wait3A_715] : memref<32x128xf32, #tpu.memory_space<vmem>> -> memref<1x128xf32, #tpu.memory_space<vmem>>
      %dma_wait3A_717 = tpu.memref_squeeze %dma_wait3A_716 : memref<1x128xf32, #tpu.memory_space<vmem>> -> memref<128xf32, #tpu.memory_space<vmem>>
      %dma_wait3A_718 = tpu.memref_slice %arg3[%multiple_of3A_476] : memref<83200000xf32, #tpu.memory_space<hbm>> -> memref<100000xf32, #tpu.memory_space<hbm>>
      %dma_wait3A_719 = arith.constant 0 : i32
      %dma_wait3A_720 = tpu.memref_slice %dma_wait3A_718[%dma_wait3A_719] : memref<100000xf32, #tpu.memory_space<hbm>> -> memref<100000xf32, #tpu.memory_space<hbm>>
      tpu.wait_indirect_dma semaphore(%arg8 : memref<!tpu.dma_semaphore, #tpu.memory_space<semaphore_mem>>) src(%dma_wait3A_720 : memref<100000xf32, #tpu.memory_space<hbm>>) dst(%dma_wait3A_717 : memref<128xf32, #tpu.memory_space<vmem>>)
      %dma_wait3A_721 = arith.constant 30 : i32
      %dma_wait3A_722 = arith.constant 0 : i32
      %dma_wait3A_723 = tpu.memref_slice %arg7[%dma_wait3A_721, %dma_wait3A_722] : memref<32x128xf32, #tpu.memory_space<vmem>> -> memref<1x128xf32, #tpu.memory_space<vmem>>
      %dma_wait3A_724 = tpu.memref_squeeze %dma_wait3A_723 : memref<1x128xf32, #tpu.memory_space<vmem>> -> memref<128xf32, #tpu.memory_space<vmem>>
      %dma_wait3A_725 = tpu.memref_slice %arg3[%multiple_of3A_490] : memref<83200000xf32, #tpu.memory_space<hbm>> -> memref<100000xf32, #tpu.memory_space<hbm>>
      %dma_wait3A_726 = arith.constant 0 : i32
      %dma_wait3A_727 = tpu.memref_slice %dma_wait3A_725[%dma_wait3A_726] : memref<100000xf32, #tpu.memory_space<hbm>> -> memref<100000xf32, #tpu.memory_space<hbm>>
      tpu.wait_indirect_dma semaphore(%arg8 : memref<!tpu.dma_semaphore, #tpu.memory_space<semaphore_mem>>) src(%dma_wait3A_727 : memref<100000xf32, #tpu.memory_space<hbm>>) dst(%dma_wait3A_724 : memref<128xf32, #tpu.memory_space<vmem>>)
      %dma_wait3A_728 = arith.constant 31 : i32
      %dma_wait3A_729 = arith.constant 0 : i32
      %dma_wait3A_730 = tpu.memref_slice %arg7[%dma_wait3A_728, %dma_wait3A_729] : memref<32x128xf32, #tpu.memory_space<vmem>> -> memref<1x128xf32, #tpu.memory_space<vmem>>
      %dma_wait3A_731 = tpu.memref_squeeze %dma_wait3A_730 : memref<1x128xf32, #tpu.memory_space<vmem>> -> memref<128xf32, #tpu.memory_space<vmem>>
      %dma_wait3A_732 = tpu.memref_slice %arg3[%multiple_of3A_504] : memref<83200000xf32, #tpu.memory_space<hbm>> -> memref<100000xf32, #tpu.memory_space<hbm>>
      %dma_wait3A_733 = arith.constant 0 : i32
      %dma_wait3A_734 = tpu.memref_slice %dma_wait3A_732[%dma_wait3A_733] : memref<100000xf32, #tpu.memory_space<hbm>> -> memref<100000xf32, #tpu.memory_space<hbm>>
      tpu.wait_indirect_dma semaphore(%arg8 : memref<!tpu.dma_semaphore, #tpu.memory_space<semaphore_mem>>) src(%dma_wait3A_734 : memref<100000xf32, #tpu.memory_space<hbm>>) dst(%dma_wait3A_731 : memref<128xf32, #tpu.memory_space<vmem>>)
      %mul3A_735 = arith.constant 32 : i32
      %mul3A_736 = arith.muli %scan3A_11, %mul3A_735 : i32
      %multiple_of3A_737 = tpu.assume_multiple %mul3A_736, 8 : i32
      %mul3A_738 = arith.constant 128 : i32
      %mul3A_739 = arith.muli %add3A, %mul3A_738 : i32
      %dma_start3A_740 = tpu.memref_slice %arg4[%multiple_of3A_737, %mul3A_739] : memref<832x4096xf32, #tpu.memory_space<hbm>> -> memref<32x128xf32, #tpu.memory_space<hbm>>
      %dma_start3A_741 = tpu.memref_slice %arg4[%multiple_of3A_737, %mul3A_739] : memref<832x4096xf32, #tpu.memory_space<hbm>> -> memref<32x128xf32, #tpu.memory_space<hbm>>
      tpu.enqueue_dma source(%arg7 : memref<32x128xf32, #tpu.memory_space<vmem>>) target(%dma_start3A_741 : memref<32x128xf32, #tpu.memory_space<hbm>>) target_semaphore(%arg9 : memref<!tpu.dma_semaphore, #tpu.memory_space<semaphore_mem>>)
      %dma_wait3A_742 = tpu.memref_slice %arg4[%multiple_of3A_737, %mul3A_739] : memref<832x4096xf32, #tpu.memory_space<hbm>> -> memref<32x128xf32, #tpu.memory_space<hbm>>
      %dma_wait3A_743 = tpu.memref_slice %arg4[%multiple_of3A_737, %mul3A_739] : memref<832x4096xf32, #tpu.memory_space<hbm>> -> memref<32x128xf32, #tpu.memory_space<hbm>>
      tpu.wait_dma2 semaphore(%arg9 : memref<!tpu.dma_semaphore, #tpu.memory_space<semaphore_mem>>) src(%arg7 : memref<32x128xf32, #tpu.memory_space<vmem>>) dst(%dma_wait3A_743 : memref<32x128xf32, #tpu.memory_space<hbm>>)
    }
    %scan3A_10 = arith.constant 26 : i32
    return
  }
}

</mosaic_0001>

<sc_bundles>
// kernel: kernel.3.cloned.1.call-start
scs
__scs_entry_jumppad:
0x0: {  	(pc) =	sbr.rel $0x88, $3  }
0x1: {  	(tag) =	ssettag $0x0;
	lr =	simm.s32 $0x1  }
0x2: {  	[smem:$0x3F9F] =	sst lr;
	_ =	strace $0xD0000000  }
0x3: {  	_ = 	snop  }
0x4: {  	_ = 	snop  }
0x5: {  	_ = 	snop  }
0x6: {  	_ = 	snop  }
0x7: {  	_ = 	snop  }
__scs_overlays_trampoline_lowered:
0x8: {  	[smem:$0x3FAE] =	sst s0  }
0x9: {  	[smem:$0x3FAF] =	sst s1  }
0xa: {  	[smem:$0x3FB0] =	sst s2  }
0xb: {  	[smem:$0x3FB1] =	sst s3  }
0xc: {  	[smem:$0x3FB2] =	sst s4  }
0xd: {  	[smem:$0x3FB3] =	sst s5  }
0xe: {  	[smem:$0x3FB4] =	sst s6  }
0xf: {  	[smem:$0x3FB5] =	sst s7  }
0x10: {  	[smem:$0x3FB6] =	sst s8  }
0x11: {  	[smem:$0x3FB7] =	sst s9;
	s0 =	simm.s32 @!p0 $0x0  }
0x12: {  	s1 =	sld [smem:$0x3F9D];
	s0 =	simm.s32 @p0 $0x1  }
0x13: {  	[smem:$0x3FB8] =	sst s0;
	s0 =	simm.s32 @!p1 $0x0  }
0x14: {  	s2 =	sld [smem:$0x3F9C];
	s0 =	simm.s32 @p1 $0x1  }
0x15: {  	[smem:$0x3FB9] =	sst s0;
	s0 =	simm.s32 @!p2 $0x0  }
0x16: {  	s3 =	sld [smem:$0x3FDB];
	s0 =	simm.s32 @p2 $0x1  }
0x17: {  	s4 =	simm.s32 $0x1BF5;
	[smem:$0x3FBB] =	sst s0  }
0x18: {  	s0 =	sld [smem:$0x3F9E];
	_ =	swait.ge [sflag:s4], $0x0  }
0x19: {  	s7 =	sld [smem:$0x3F9F]  }
0x1a: {  	s8 =	sadd.s32 $0xFFFFE003, lr  }
0x1b: {  	s9 =	sadd.s32 $0xFFFFFEF7, lr;
	s5 =	simm.s32 $0xFFFFFFFF;
	p2 =	slt.u32 s8, $0xFFFFF086  }
0x1c: {  	p1 =	slt.u32 s9, $0xF7A;
	s5 =	simm.s32 @!p2 $0x0  }
0x1d: {  	s5 =	simm.s32 @p1 $0x1;
	p0 =	seq.s32 s7, s2  }
0x1e: {  	s7 =	smul.u32 @!p0 $0xF7A, s2;
	p2 =	seq.s32 @!p0 s5, $0x0  }
0x1f: {  	s9 =	smul.u32 $0xF7A, s1;
	s8 =	simm.s32 @!p0 $0x1BF5;
	p2 =	por !p2, p0  }
0x20: {  	[sflag:s8] =	ssyncset.s32 @!p0 $0xFFFFF086;
	s6 =	sadd.s32 @!p0 s3, s7;
	s7 =	simm.s32 @!p0 $0x108  }
0x21: {  	s3 =	sadd.s32 s3, s9;
	s6 =	sadd.s32 @!p0 $0x88, s6;
	s7 =	simm.s32 @p2 $0x1082  }
0x22: {  	[simem:s7], [sflag:s8] =	dma.local @!p0 [hbm:s6], $0xF7A  }
0x23: {  	s9 =	sor.u32 $0xD0000000, s2;
	s6 =	simm.s32 $0x108;
	_ =	swait.ge @!p0 [sflag:s8], $0x0  }
0x24: {  	s3 =	sadd.s32 $0x88, s3;
	s6 =	simm.s32 @!p1 $0x1082;
	[sflag:s4] =	ssyncset.s32 $0xFFFFF086  }
0x25: {  	[simem:s6], [sflag:s4] =	dma.local [hbm:s3], $0xF7A  }
0x26: {  	[smem:$0x3F9F] =	sst s1;
	(tag) =	ssettag s2;
	_ =	strace s9  }
0x27: {  	s1 =	sld [smem:$0x3FAF]  }
0x28: {  	s2 =	sld [smem:$0x3FB0]  }
0x29: {  	s4 =	sld [smem:$0x3FB2]  }
0x2a: {  	p0 =	seq.s32 s5, $0x0;
	s5 =	sld [smem:$0x3FB3]  }
0x2b: {  	s6 =	sld [smem:$0x3FB4]  }
0x2c: {  	s7 =	sld [smem:$0x3FB5]  }
0x2d: {  	s3 =	simm.s32 $0x108;
	s8 =	sld [smem:$0x3FB6]  }
0x2e: {  	s3 =	simm.s32 @!p0 $0x1082;
	s9 =	sld [smem:$0x3FB7]  }
0x2f: {  	lr =	sadd.s32 s0, s3;
	s0 =	sld [smem:$0x3FAE]  }
0x30: {  	s3 =	sld [smem:$0x3FB1]  }
0x31: {  	[smem:$0x3FBA] =	sst s10  }
0x32: {  	s10 =	sld [smem:$0x3FB8];
	_ =	sdelay $0x3  }
0x33: {  	p0 =	seq.s32 s10, $0x1;
	s10 =	sld [smem:$0x3FBA];
	_ =	sdelay $0x3  }
0x34: {  	[smem:$0x3FBA] =	sst s10  }
0x35: {  	s10 =	sld [smem:$0x3FB9];
	_ =	sdelay $0x3  }
0x36: {  	p1 =	seq.s32 s10, $0x1;
	s10 =	sld [smem:$0x3FBA];
	_ =	sdelay $0x3  }
0x37: {  	[smem:$0x3FBA] =	sst s10  }
0x38: {  	s10 =	sld [smem:$0x3FBB]  }
0x39: {  	_ = 	snop;
	(pc) =	sbr.ind lr, $3  }
0x3a: {  	_ = 	snop  }
0x3b: {  	_ = 	snop  }
0x3c: {  	p2 =	seq.s32 s10, $0x1;
	s10 =	sld [smem:$0x3FBA]  }
0x3d: {  	_ =	shalt  }
0x3e: {  	_ =	shalt  }
0x3f: {  	_ =	shalt  }
0x40: {  	_ =	shalt  }
0x41: {  	_ =	shalt  }
0x42: {  	_ =	shalt  }
0x43: {  	_ =	shalt  }
0x44: {  	_ =	shalt  }
0x45: {  	_ =	shalt  }
0x46: {  	_ =	shalt  }
0x47: {  	_ =	shalt  }
0x48: {  	_ =	shalt  }
0x49: {  	_ =	shalt  }
0x4a: {  	_ =	shalt  }
0x4b: {  	_ =	shalt  }
0x4c: {  	_ =	shalt  }
0x4d: {  	_ =	shalt  }
0x4e: {  	_ =	shalt  }
0x4f: {  	_ =	shalt  }
0x50: {  	_ =	shalt  }
0x51: {  	_ =	shalt  }
0x52: {  	_ =	shalt  }
0x53: {  	_ =	shalt  }
0x54: {  	_ =	shalt  }
0x55: {  	_ =	shalt  }
0x56: {  	_ =	shalt  }
0x57: {  	_ =	shalt  }
0x58: {  	_ =	shalt  }
0x59: {  	_ =	shalt  }
0x5a: {  	_ =	shalt  }
0x5b: {  	_ =	shalt  }
0x5c: {  	_ =	shalt  }
0x5d: {  	_ =	shalt  }
0x5e: {  	_ =	shalt  }
0x5f: {  	_ =	shalt  }
0x60: {  	_ =	shalt  }
0x61: {  	_ =	shalt  }
0x62: {  	_ =	shalt  }
0x63: {  	_ =	shalt  }
0x64: {  	_ =	shalt  }
0x65: {  	_ =	shalt  }
0x66: {  	_ =	shalt  }
0x67: {  	_ =	shalt  }
0x68: {  	_ =	shalt  }
0x69: {  	_ =	shalt  }
0x6a: {  	_ =	shalt  }
0x6b: {  	_ =	shalt  }
0x6c: {  	_ =	shalt  }
0x6d: {  	_ =	shalt  }
0x6e: {  	_ =	shalt  }
0x6f: {  	_ =	shalt  }
0x70: {  	_ =	shalt  }
0x71: {  	_ =	shalt  }
0x72: {  	_ =	shalt  }
0x73: {  	_ =	shalt  }
0x74: {  	_ =	shalt  }
0x75: {  	_ =	shalt  }
0x76: {  	_ =	shalt  }
0x77: {  	_ =	shalt  }
0x78: {  	_ =	shalt  }
0x79: {  	_ =	shalt  }
0x7a: {  	_ =	shalt  }
0x7b: {  	_ =	shalt  }
0x7c: {  	_ =	shalt  }
0x7d: {  	_ =	shalt  }
0x7e: {  	_ =	shalt  }
0x7f: {  	_ =	shalt  }
0x80: {  	_ =	shalt  }
0x81: {  	_ =	shalt  }
0x82: {  	_ =	shalt  }
0x83: {  	_ =	shalt  }
0x84: {  	_ =	shalt  }
0x85: {  	_ =	shalt  }
0x86: {  	_ =	shalt  }
0x87: {  	_ =	shalt  }
.Lfunc_end0:
.L_simem_size_0:
called_computation_lowered:
.L_overlay_start_0:
0x88: {  	s2 =	sld [smem:$0x3FD9]  }
0x89: {  	s3 =	sld [smem:$0x3FFE];
	_ =	sdelay $0x1  }
0x8a: {  	s1 =	srdreg.scid  }
0x8b: {  	s0 =	sand.u32 $0x1, s1  }
0x8c: {  	s17 =	sshll.u32 s0, $0xA;
	s2 =	sadd.s32 s3, s2  }
0x8d: {  	s2 =	sadd.s32 s2, s17  }
0x8e: {  	[smem:$0x3FC6] =	sst s2  }
0x8f: {  	_ = 	snop  }
0x90: {  	s2 =	sld [smem:$0x3FD0];
	(tm) =	ssettm $0x1  }
0x91: {  	s18 =	sld [smem:$0x3FFB];
	_ =	sdelay $0x3  }
0x92: {  	_ =	strace s18  }
0x93: {  	s3 =	sld [smem:$0x3FFC];
	_ =	sdelay $0x3  }
0x94: {  	_ =	strace s3  }
0x95: {  	s3 =	sld [smem:$0x3FFD];
	_ =	sdelay $0x3  }
0x96: {  	_ =	strace s3  }
0x97: {  	_ =	strace $0x8FFFFFFF  }
0x98: {  	s19 =	sld [smem:$0x3FDB];
	_ =	sdelay $0x1  }
0x99: {  	s4 =	simm.s32 $_scs_section_size  }
0x9a: {  	s5 =	simm.s32 $_size__tile_overlayer_lowered;
	s6 =	simm.s32 $_tile_overlayer_lowered  }
0x9b: {  	s22 =	simm.s32 $0x1BFF;
	s21 =	sshll.u32 s6, $0x1;
	s3 =	sadd.s32 s4, s19  }
0x9c: {  	s7 =	simm.s32 $0x0;
	s20 =	sshll.u32 s5, $0x1;
	s5 =	sadd.s32 s21, s3  }
0x9d: {  	[timem:s7], [sflag:s22] =	dma.local [hbm:s5], s20  }
0x9e: {  	_ =	swait.ge [sflag:s22], s20  }
0x9f: {  	s4 =	ssub.s32 $0x0, s20;
	[sflag:s22] =	ssyncset.done $0x0  }
0xa0: {  	[sflag:s22] =	ssyncadd.s32 s4;
	_ =	sdelay $0x1  }
0xa1: {  	s23 =	simm.s32 $0x1B8B  }
0xa2: {  	_ =	swait.ge [sflag:s23], $0x1  }
0xa3: {  	[sflag:s23] =	ssyncset.done $0x0  }
0xa4: {  	s25 =	simm.s32 $0x1B8E;
	s24 =	sld [smem:$0x3FFE];
	[sflag:s23] =	ssyncadd.s32 $0xFFFFFFFF  }
0xa5: {  	s26 =	simm.s32 $execute0_lowered;
	[smem:$0x3FD2] =	sst s25  }
0xa6: {  	s5 =	sshll.u32 s26, $0x1;
	_ =	strace $0x80000046;
	[dreg:$0x1] =	wrdreg $0xFFFFFFFF  }
0xa7: {  	s28 =	simm.s32 $_size_execute0_lowered;
	s3 =	sadd.s32 s3, s5;
	[dreg:$0x0] =	wrdreg $0x0  }
0xa8: {  	s5 =	sshll.u32 s28, $0x1;
	[dreg:$0x2] =	wrdreg s3  }
0xa9: {  	[dreg:$0x3] =	wrdreg s5  }
0xaa: {  	[dreg:$0x4] =	wrdreg $0xC0  }
0xab: {  	_ =	task [dreg:s7], $0x5FFFF  }
0xac: {  	[dreg:$0x1] =	wrdreg $0xFFFFFFFF  }
0xad: {  	[dreg:$0x0] =	wrdreg $0x60  }
0xae: {  	[dreg:$0x2] =	wrdreg s2  }
0xaf: {  	[dreg:$0x3] =	wrdreg s24  }
0xb0: {  	[dreg:$0x4] =	wrdreg $0x9  }
0xb1: {  	_ =	task.clear_ibuf [dreg:s7], $0x5FFFF;
	_ =	strace $0x90000046  }
0xb2: {  	s29 =	simm.s32 $0x9;
	_ =	strace $0x80000048  }
0xb3: {  	_ =	swait.ge [sflag:s29], $0x1  }
0xb4: {  	[sflag:s29] =	ssyncadd.s32 $0xFFFFFFFF  }
0xb5: {  	_ =	strace $0x90000048  }
0xb6: {  	_ =	sfence  }
0xb7: {  	s30 =	sld [smem:$0x0];
	_ =	sdelay $0x2  }
0xb8: {  	s31 =	sshll.u32 s1, $0xD;
	s1 =	sshrl.u32 s1, $0x2  }
0xb9: {  	s3 =	sand.u32 $0x4000, s31;
	s1 =	sadd.s32 s1, s30  }
0xba: {  	s0 =	sor.u32 s3, s0;
	s1 =	sshll.u32 s1, $0x11  }
0xbb: {  	s0 =	sor.u32 s1, s0  }
0xbc: {  	s0 =	sadd.s32 $0x8F2B, s0  }
0xbd: {  	[sflag:s0] =	ssyncadd.remote.s32 $0x1  }
0xbe: {  	_ =	sfence.sel $0xFFFF  }
0xbf: {  	[dreg:$0x0] =	wrdreg $0xFFFFFFFF;
	(pc) =	sbr.abs _section_cstart, $3  }
0xc0: {  	[dreg:$0x1] =	wrdreg $0xFFFFFFFF  }
0xc1: {  	_ =	task.clear_ibuf [dreg:s7], $0x2FFFF;
	_ =	strace $0x9FFFFFFF  }
0xc2: {  	(tm) =	ssettm $0x7FFFFFFF  }
0xc3: {  	_ =	shalt  }
tec
execute0_lowered:
.L_overlay_start_1:
0x0: {  	(tag) =	ssettag $0x1  }
0x1: {  	s3 =	rddreg [dreg:$0x0]  }
0x2: {  	s6 =	rddreg [dreg:$0x1]  }
0x3: {  	s0 =	rddreg [dreg:$0x2];
	s1 =	simm.s32 $0x0  }
0x4: {  	s2 =	simm.s32 $0xE00;
	[smem:$0x7FF] =	sst s1  }
0x5: {  	s31 =	simm.s32 $0xE80;
	_ =	strace $0x80000047;
	[dreg:$0x3] =	wrdreg s2  }
0x6: {  	s4 =	simm.s32 $0xF00;
	[dreg:$0x4] =	wrdreg s31  }
0x7: {  	s5 =	simm.s32 $0xF80;
	[dreg:$0x5] =	wrdreg s4  }
0x8: {  	s7 =	simm.s32 $0x1080;
	[dreg:$0x6] =	wrdreg s5  }
0x9: {  	s8 =	simm.s32 $0x1100;
	[dreg:$0x7] =	wrdreg s7  }
0xa: {  	s9 =	simm.s32 $0x1180;
	[dreg:$0x8] =	wrdreg s8  }
0xb: {  	s10 =	simm.s32 $0x1200;
	[dreg:$0x9] =	wrdreg s9  }
0xc: {  	s11 =	simm.s32 $0x1280;
	[dreg:$0xa] =	wrdreg s10  }
0xd: {  	s12 =	simm.s32 $0x1380;
	[dreg:$0xb] =	wrdreg s11  }
0xe: {  	s13 =	simm.s32 $0x1400;
	[dreg:$0xd] =	wrdreg s12  }
0xf: {  	s14 =	simm.s32 $0x1480;
	[dreg:$0xe] =	wrdreg s13  }
0x10: {  	s15 =	simm.s32 $0x1500;
	[dreg:$0xf] =	wrdreg s14  }
0x11: {  	s16 =	simm.s32 $0x1580;
	[dreg:$0x10] =	wrdreg s15  }
0x12: {  	s17 =	simm.s32 $0x1600;
	[dreg:$0x11] =	wrdreg s16  }
0x13: {  	s18 =	simm.s32 $0x1680;
	[dreg:$0x12] =	wrdreg s17  }
0x14: {  	s19 =	simm.s32 $0x1700;
	[dreg:$0x13] =	wrdreg s18  }
0x15: {  	s20 =	simm.s32 $0x1780;
	[dreg:$0x14] =	wrdreg s19  }
0x16: {  	s21 =	simm.s32 $0x1800;
	[dreg:$0x15] =	wrdreg s20  }
0x17: {  	s22 =	simm.s32 $0x1880;
	[dreg:$0x16] =	wrdreg s21  }
0x18: {  	s23 =	simm.s32 $0x1900;
	[dreg:$0x17] =	wrdreg s22  }
0x19: {  	s24 =	simm.s32 $0x1980;
	[dreg:$0x18] =	wrdreg s23  }
0x1a: {  	s25 =	simm.s32 $0x1A00;
	[dreg:$0x19] =	wrdreg s24  }
0x1b: {  	s26 =	simm.s32 $0x1A80;
	[dreg:$0x1a] =	wrdreg s25  }
0x1c: {  	s28 =	simm.s32 $0x1B00;
	[dreg:$0x1b] =	wrdreg s26  }
0x1d: {  	s29 =	simm.s32 $0x1B80;
	s30 =	simm.s32 $0x1C00;
	[dreg:$0x1c] =	wrdreg s28  }
0x1e: {  	s4 =	simm.s32 $0x1300;
	s2 =	stileid.u32;
	[dreg:$0x1d] =	wrdreg s29  }
0x1f: {  	s7 =	srdreg.scid;
	[dreg:$0x1e] =	wrdreg s30;
	s31 =	simm.s32 $0x1C80  }
0x20: {  	s12 =	simm.s32 $0x1D00;
	s11 =	simm.s32 $0x1000;
	s13 =	simm.s32 $0x2  }
0x21: {  	s14 =	simm.s32 $0x0;
	[dreg:$0xc] =	wrdreg s4;
	s5 =	sshll.u32 s2, $0x5  }
0x22: {  	s7 =	sand.u32 $0x1, s7;
	s10 =	sshll.u32 s2, $0x1;
	[dreg:$0x1f] =	wrdreg s31  }
0x23: {  	[smem:$0x7FD] =	sst s12;
	s12 =	simm.s32 $0x1;
	s5 =	sadd.s32 s5, s6  }
0x24: {  	s8 =	ssub.s32 $0x2, s7;
	s10 =	sor.u32 s7, s10;
	s7 =	sshll.u32 s7, $0x4  }
0x25: {  	s6 =	sadd.s32 $0x5EDAC, s6;
	s9 =	sshrl.u32 s8, $0x1;
	s10 =	smul.u32 $0x1A0, s10  }
0x26: {  	s5 =	sadd.s32 s7, s5;
	s7 =	simm.s32 $0x3;
	s8 =	ssub.s32 s8, s9  }
0x27: {  	v0 =	vlaneseq.u32;
	s5 =	sadd.s32 $0x9EB600, s5;
	s9 =	simm.s32 $0xD00;
	s3 =	sadd.s32 s3, s10  }
0x28: {  	v0 =	vmul.u32 $0x1A, v0;
	s4 =	smax.u32 s8, $0x1;
	s8 =	simm.s32 $0x80;
	s10 =	simm.s32 $0xD80  }
.LBB2_1:
0x29: {  	_ = 	snop  }
0x2a: {  	v1 =	vadd.s32 s1, v0  }
0x2b: {  	[tilespmem:s1], [sflag:$0x3] =	stream.linear.gather [hbm4b:s3+s1], $0xD00, $0x38;
	[tilespmem:$0x1D80] =	vst v63  }
0x2c: {  	_ =	swait.ge [sflag:s7], $0xD00  }
0x2d: {  	[sflag:s7] =	ssyncset.done $0x0  }
0x2e: {  	[sflag:s7] =	ssyncadd.s32 $0xFFFFF300  }
0x2f: {  	s15 =	simm.s32 $0x1A0;
	v1 =	vld.idx.msk [tilespmem:v1+s1+$0x0], $0xffff  }
0x30: {  	v2 =	vadd.s32 s15, v0;
	_ =	sdelay $0x3  }
0x31: {  	[tilespmem:$0xD00] =	vst v1  }
0x32: {  	s21 =	simm.s32 $0x340;
	v1 =	vld.idx.msk [tilespmem:v2+s1+$0x0], $0xffff  }
0x33: {  	v2 =	vadd.s32 s21, v0;
	_ =	sdelay $0x3  }
0x34: {  	[tilespmem:$0xD10] =	vst v1  }
0x35: {  	s22 =	simm.s32 $0x4E0;
	v1 =	vld.idx.msk [tilespmem:v2+s1+$0x0], $0xffff  }
0x36: {  	v2 =	vadd.s32 s22, v0;
	_ =	sdelay $0x3  }
0x37: {  	[tilespmem:$0xD20] =	vst v1  }
0x38: {  	s23 =	simm.s32 $0x680;
	v1 =	vld.idx.msk [tilespmem:v2+s1+$0x0], $0xffff  }
0x39: {  	v2 =	vadd.s32 s23, v0;
	_ =	sdelay $0x3  }
0x3a: {  	[tilespmem:$0xD30] =	vst v1  }
0x3b: {  	s24 =	simm.s32 $0x820;
	v1 =	vld.idx.msk [tilespmem:v2+s1+$0x0], $0xffff  }
0x3c: {  	v2 =	vadd.s32 s24, v0;
	_ =	sdelay $0x3  }
0x3d: {  	[tilespmem:$0xD40] =	vst v1  }
0x3e: {  	s25 =	simm.s32 $0x9C0;
	v1 =	vld.idx.msk [tilespmem:v2+s1+$0x0], $0xffff  }
0x3f: {  	v2 =	vadd.s32 s25, v0;
	_ =	sdelay $0x3  }
0x40: {  	[tilespmem:$0xD50] =	vst v1  }
0x41: {  	s26 =	simm.s32 $0xB60;
	v1 =	vld.idx.msk [tilespmem:v2+s1+$0x0], $0xffff  }
0x42: {  	v2 =	vadd.s32 s26, v0;
	_ =	sdelay $0x3  }
0x43: {  	[tilespmem:$0xD60] =	vst v1  }
0x44: {  	v1 =	vld.idx.msk [tilespmem:v2+s1+$0x0], $0xffff;
	_ =	sdelay $0x4  }
0x45: {  	s28 =	sadd.s32 $0xFFFA1654, s6;
	[tilespmem:$0xD70] =	vst v1  }
0x46: {  	[tilespmem:s10], [sflag:$0x1] =	stream.indirect.gather [hbm4b:s28+s8], $0x1, s9, s8, $0xb8;
	[tilespmem:$0x1D80] =	vst v63  }
0x47: {  	s29 =	sadd.s32 $0xFFFA4728, s6;
	s16 =	rddreg [dreg:$0x3]  }
0x48: {  	[tilespmem:s16], [sflag:$0x1] =	stream.indirect.gather [hbm4b:s29+s8], $0x1, s9, s8, $0xb8;
	[tilespmem:$0x1D80] =	vst v63  }
0x49: {  	s30 =	sadd.s32 $0xFFFA77FC, s6;
	s17 =	rddreg [dreg:$0x4]  }
0x4a: {  	[tilespmem:s17], [sflag:$0x1] =	stream.indirect.gather [hbm4b:s30+s8], $0x1, s9, s8, $0xb8;
	[tilespmem:$0x1D80] =	vst v63  }
0x4b: {  	s18 =	sadd.s32 $0xFFFAA8D0, s6;
	s31 =	rddreg [dreg:$0x5]  }
0x4c: {  	[tilespmem:s31], [sflag:$0x1] =	stream.indirect.gather [hbm4b:s18+s8], $0x1, s9, s8, $0xb8;
	[tilespmem:$0x1D80] =	vst v63  }
0x4d: {  	s20 =	sadd.s32 $0xFFFAD9A4, s6;
	s19 =	rddreg [dreg:$0x6]  }
0x4e: {  	[tilespmem:s19], [sflag:$0x1] =	stream.indirect.gather [hbm4b:s20+s8], $0x1, s9, s8, $0xb8;
	[tilespmem:$0x1D80] =	vst v63  }
0x4f: {  	s21 =	sadd.s32 $0xFFFB0A78, s6;
	s22 =	rddreg [dreg:$0x7]  }
0x50: {  	[tilespmem:s11], [sflag:$0x1] =	stream.indirect.gather [hbm4b:s21+s8], $0x1, s9, s8, $0xb8;
	[tilespmem:$0x1D80] =	vst v63  }
0x51: {  	s23 =	sadd.s32 $0xFFFB3B4C, s6;
	s24 =	rddreg [dreg:$0x8]  }
0x52: {  	[tilespmem:s22], [sflag:$0x1] =	stream.indirect.gather [hbm4b:s23+s8], $0x1, s9, s8, $0xb8;
	[tilespmem:$0x1D80] =	vst v63  }
0x53: {  	s25 =	sadd.s32 $0xFFFB6C20, s6;
	s26 =	rddreg [dreg:$0x9]  }
0x54: {  	[tilespmem:s24], [sflag:$0x1] =	stream.indirect.gather [hbm4b:s25+s8], $0x1, s9, s8, $0xb8;
	[tilespmem:$0x1D80] =	vst v63  }
0x55: {  	s28 =	sadd.s32 $0xFFFB9CF4, s6;
	s29 =	rddreg [dreg:$0xa]  }
0x56: {  	[tilespmem:s26], [sflag:$0x1] =	stream.indirect.gather [hbm4b:s28+s8], $0x1, s9, s8, $0xb8;
	[tilespmem:$0x1D80] =	vst v63  }
0x57: {  	s30 =	sadd.s32 $0xFFFBCDC8, s6;
	s31 =	rddreg [dreg:$0xb]  }
0x58: {  	[tilespmem:s29], [sflag:$0x1] =	stream.indirect.gather [hbm4b:s30+s8], $0x1, s9, s8, $0xb8;
	[tilespmem:$0x1D80] =	vst v63  }
0x59: {  	s17 =	sadd.s32 $0xFFFBFE9C, s6;
	s18 =	rddreg [dreg:$0xc]  }
0x5a: {  	[tilespmem:s31], [sflag:$0x1] =	stream.indirect.gather [hbm4b:s17+s8], $0x1, s9, s8, $0xb8;
	[tilespmem:$0x1D80] =	vst v63  }
0x5b: {  	s19 =	sadd.s32 $0xFFFC2F70, s6;
	s20 =	rddreg [dreg:$0xd]  }
0x5c: {  	[tilespmem:s18], [sflag:$0x1] =	stream.indirect.gather [hbm4b:s19+s8], $0x1, s9, s8, $0xb8;
	[tilespmem:$0x1D80] =	vst v63  }
0x5d: {  	s21 =	sadd.s32 $0xFFFC6044, s6;
	s22 =	rddreg [dreg:$0xe]  }
0x5e: {  	[tilespmem:s20], [sflag:$0x1] =	stream.indirect.gather [hbm4b:s21+s8], $0x1, s9, s8, $0xb8;
	[tilespmem:$0x1D80] =	vst v63  }
0x5f: {  	s23 =	sadd.s32 $0xFFFC9118, s6;
	s24 =	rddreg [dreg:$0xf]  }
0x60: {  	[tilespmem:s22], [sflag:$0x1] =	stream.indirect.gather [hbm4b:s23+s8], $0x1, s9, s8, $0xb8;
	[tilespmem:$0x1D80] =	vst v63  }
0x61: {  	s25 =	sadd.s32 $0xFFFCC1EC, s6;
	s26 =	rddreg [dreg:$0x10]  }
0x62: {  	[tilespmem:s24], [sflag:$0x1] =	stream.indirect.gather [hbm4b:s25+s8], $0x1, s9, s8, $0xb8;
	[tilespmem:$0x1D80] =	vst v63  }
0x63: {  	s28 =	sadd.s32 $0xFFFCF2C0, s6;
	s29 =	rddreg [dreg:$0x11]  }
0x64: {  	[tilespmem:s26], [sflag:$0x1] =	stream.indirect.gather [hbm4b:s28+s8], $0x1, s9, s8, $0xb8;
	[tilespmem:$0x1D80] =	vst v63  }
0x65: {  	s30 =	sadd.s32 $0xFFFD2394, s6;
	s31 =	rddreg [dreg:$0x12]  }
0x66: {  	[tilespmem:s29], [sflag:$0x1] =	stream.indirect.gather [hbm4b:s30+s8], $0x1, s9, s8, $0xb8;
	[tilespmem:$0x1D80] =	vst v63  }
0x67: {  	s16 =	sadd.s32 $0xFFFD5468, s6;
	s18 =	rddreg [dreg:$0x13]  }
0x68: {  	[tilespmem:s31], [sflag:$0x1] =	stream.indirect.gather [hbm4b:s16+s8], $0x1, s9, s8, $0xb8;
	[tilespmem:$0x1D80] =	vst v63  }
0x69: {  	s19 =	sadd.s32 $0xFFFD853C, s6;
	s20 =	rddreg [dreg:$0x14]  }
0x6a: {  	[tilespmem:s18], [sflag:$0x1] =	stream.indirect.gather [hbm4b:s19+s8], $0x1, s9, s8, $0xb8;
	[tilespmem:$0x1D80] =	vst v63  }
0x6b: {  	s21 =	sadd.s32 $0xFFFDB610, s6;
	s22 =	rddreg [dreg:$0x15]  }
0x6c: {  	[tilespmem:s20], [sflag:$0x1] =	stream.indirect.gather [hbm4b:s21+s8], $0x1, s9, s8, $0xb8;
	[tilespmem:$0x1D80] =	vst v63  }
0x6d: {  	s23 =	sadd.s32 $0xFFFDE6E4, s6;
	s24 =	rddreg [dreg:$0x16]  }
0x6e: {  	[tilespmem:s22], [sflag:$0x1] =	stream.indirect.gather [hbm4b:s23+s8], $0x1, s9, s8, $0xb8;
	[tilespmem:$0x1D80] =	vst v63  }
0x6f: {  	s25 =	sadd.s32 $0xFFFE17B8, s6;
	s26 =	rddreg [dreg:$0x17]  }
0x70: {  	[tilespmem:s24], [sflag:$0x1] =	stream.indirect.gather [hbm4b:s25+s8], $0x1, s9, s8, $0xb8;
	[tilespmem:$0x1D80] =	vst v63  }
0x71: {  	s28 =	sadd.s32 $0xFFFE488C, s6;
	s29 =	rddreg [dreg:$0x18]  }
0x72: {  	[tilespmem:s26], [sflag:$0x1] =	stream.indirect.gather [hbm4b:s28+s8], $0x1, s9, s8, $0xb8;
	[tilespmem:$0x1D80] =	vst v63  }
0x73: {  	s30 =	sadd.s32 $0xFFFE7960, s6;
	s31 =	rddreg [dreg:$0x19]  }
0x74: {  	[tilespmem:s29], [sflag:$0x1] =	stream.indirect.gather [hbm4b:s30+s8], $0x1, s9, s8, $0xb8;
	[tilespmem:$0x1D80] =	vst v63  }
0x75: {  	s17 =	sadd.s32 $0xFFFEAA34, s6;
	s18 =	rddreg [dreg:$0x1a]  }
0x76: {  	[tilespmem:s31], [sflag:$0x1] =	stream.indirect.gather [hbm4b:s17+s8], $0x1, s9, s8, $0xb8;
	[tilespmem:$0x1D80] =	vst v63  }
0x77: {  	s19 =	sadd.s32 $0xFFFEDB08, s6;
	s20 =	rddreg [dreg:$0x1b]  }
0x78: {  	[tilespmem:s18], [sflag:$0x1] =	stream.indirect.gather [hbm4b:s19+s8], $0x1, s9, s8, $0xb8;
	[tilespmem:$0x1D80] =	vst v63  }
0x79: {  	s21 =	sadd.s32 $0xFFFF0BDC, s6;
	s22 =	rddreg [dreg:$0x1c]  }
0x7a: {  	[tilespmem:s20], [sflag:$0x1] =	stream.indirect.gather [hbm4b:s21+s8], $0x1, s9, s8, $0xb8;
	[tilespmem:$0x1D80] =	vst v63  }
0x7b: {  	s23 =	sadd.s32 $0xFFFF3CB0, s6;
	s24 =	rddreg [dreg:$0x1d]  }
0x7c: {  	[tilespmem:s22], [sflag:$0x1] =	stream.indirect.gather [hbm4b:s23+s8], $0x1, s9, s8, $0xb8;
	[tilespmem:$0x1D80] =	vst v63  }
0x7d: {  	s25 =	sadd.s32 $0xFFFF6D84, s6;
	s26 =	rddreg [dreg:$0x1e]  }
0x7e: {  	[tilespmem:s24], [sflag:$0x1] =	stream.indirect.gather [hbm4b:s25+s8], $0x1, s9, s8, $0xb8;
	[tilespmem:$0x1D80] =	vst v63  }
0x7f: {  	s28 =	sadd.s32 $0xFFFF9E58, s6;
	s29 =	rddreg [dreg:$0x1f]  }
0x80: {  	[tilespmem:s26], [sflag:$0x1] =	stream.indirect.gather [hbm4b:s28+s8], $0x1, s9, s8, $0xb8;
	[tilespmem:$0x1D80] =	vst v63  }
0x81: {  	s30 =	sadd.s32 $0xFFFFCF2C, s6;
	s31 =	sld [smem:$0x7FD]  }
0x82: {  	[tilespmem:s29], [sflag:$0x1] =	stream.indirect.gather [hbm4b:s30+s8], $0x1, s9, s8, $0xb8;
	[tilespmem:$0x1D80] =	vst v63  }
0x83: {  	_ = 	snop  }
0x84: {  	[tilespmem:s31], [sflag:$0x1] =	stream.indirect.gather [hbm4b:s6+s8], $0x1, s9, s8, $0xb8;
	[tilespmem:$0x1D80] =	vst v63  }
0x85: {  	_ =	swait.ge [sflag:s12], $0x80  }
0x86: {  	[sflag:s12] =	ssyncset.done $0x0  }
0x87: {  	[sflag:s12] =	ssyncadd.s32 $0xFFFFFF80  }
0x88: {  	_ =	swait.ge [sflag:s12], $0x80  }
0x89: {  	[sflag:s12] =	ssyncset.done $0x0  }
0x8a: {  	[sflag:s12] =	ssyncadd.s32 $0xFFFFFF80  }
0x8b: {  	_ =	swait.ge [sflag:s12], $0x80  }
0x8c: {  	[sflag:s12] =	ssyncset.done $0x0  }
0x8d: {  	[sflag:s12] =	ssyncadd.s32 $0xFFFFFF80  }
0x8e: {  	_ =	swait.ge [sflag:s12], $0x80  }
0x8f: {  	[sflag:s12] =	ssyncset.done $0x0  }
0x90: {  	[sflag:s12] =	ssyncadd.s32 $0xFFFFFF80  }
0x91: {  	_ =	swait.ge [sflag:s12], $0x80  }
0x92: {  	[sflag:s12] =	ssyncset.done $0x0  }
0x93: {  	[sflag:s12] =	ssyncadd.s32 $0xFFFFFF80  }
0x94: {  	_ =	swait.ge [sflag:s12], $0x80  }
0x95: {  	[sflag:s12] =	ssyncset.done $0x0  }
0x96: {  	[sflag:s12] =	ssyncadd.s32 $0xFFFFFF80  }
0x97: {  	_ =	swait.ge [sflag:s12], $0x80  }
0x98: {  	[sflag:s12] =	ssyncset.done $0x0  }
0x99: {  	[sflag:s12] =	ssyncadd.s32 $0xFFFFFF80  }
0x9a: {  	_ =	swait.ge [sflag:s12], $0x80  }
0x9b: {  	[sflag:s12] =	ssyncset.done $0x0  }
0x9c: {  	[sflag:s12] =	ssyncadd.s32 $0xFFFFFF80  }
0x9d: {  	_ =	swait.ge [sflag:s12], $0x80  }
0x9e: {  	[sflag:s12] =	ssyncset.done $0x0  }
0x9f: {  	[sflag:s12] =	ssyncadd.s32 $0xFFFFFF80  }
0xa0: {  	_ =	swait.ge [sflag:s12], $0x80  }
0xa1: {  	[sflag:s12] =	ssyncset.done $0x0  }
0xa2: {  	[sflag:s12] =	ssyncadd.s32 $0xFFFFFF80  }
0xa3: {  	_ =	swait.ge [sflag:s12], $0x80  }
0xa4: {  	[sflag:s12] =	ssyncset.done $0x0  }
0xa5: {  	[sflag:s12] =	ssyncadd.s32 $0xFFFFFF80  }
0xa6: {  	_ =	swait.ge [sflag:s12], $0x80  }
0xa7: {  	[sflag:s12] =	ssyncset.done $0x0  }
0xa8: {  	[sflag:s12] =	ssyncadd.s32 $0xFFFFFF80  }
0xa9: {  	_ =	swait.ge [sflag:s12], $0x80  }
0xaa: {  	[sflag:s12] =	ssyncset.done $0x0  }
0xab: {  	[sflag:s12] =	ssyncadd.s32 $0xFFFFFF80  }
0xac: {  	_ =	swait.ge [sflag:s12], $0x80  }
0xad: {  	[sflag:s12] =	ssyncset.done $0x0  }
0xae: {  	[sflag:s12] =	ssyncadd.s32 $0xFFFFFF80  }
0xaf: {  	_ =	swait.ge [sflag:s12], $0x80  }
0xb0: {  	[sflag:s12] =	ssyncset.done $0x0  }
0xb1: {  	[sflag:s12] =	ssyncadd.s32 $0xFFFFFF80  }
0xb2: {  	_ =	swait.ge [sflag:s12], $0x80  }
0xb3: {  	[sflag:s12] =	ssyncset.done $0x0  }
0xb4: {  	[sflag:s12] =	ssyncadd.s32 $0xFFFFFF80  }
0xb5: {  	_ =	swait.ge [sflag:s12], $0x80  }
0xb6: {  	[sflag:s12] =	ssyncset.done $0x0  }
0xb7: {  	[sflag:s12] =	ssyncadd.s32 $0xFFFFFF80  }
0xb8: {  	_ =	swait.ge [sflag:s12], $0x80  }
0xb9: {  	[sflag:s12] =	ssyncset.done $0x0  }
0xba: {  	[sflag:s12] =	ssyncadd.s32 $0xFFFFFF80  }
0xbb: {  	_ =	swait.ge [sflag:s12], $0x80  }
0xbc: {  	[sflag:s12] =	ssyncset.done $0x0  }
0xbd: {  	[sflag:s12] =	ssyncadd.s32 $0xFFFFFF80  }
0xbe: {  	_ =	swait.ge [sflag:s12], $0x80  }
0xbf: {  	[sflag:s12] =	ssyncset.done $0x0  }
0xc0: {  	[sflag:s12] =	ssyncadd.s32 $0xFFFFFF80  }
0xc1: {  	_ =	swait.ge [sflag:s12], $0x80  }
0xc2: {  	[sflag:s12] =	ssyncset.done $0x0  }
0xc3: {  	[sflag:s12] =	ssyncadd.s32 $0xFFFFFF80  }
0xc4: {  	_ =	swait.ge [sflag:s12], $0x80  }
0xc5: {  	[sflag:s12] =	ssyncset.done $0x0  }
0xc6: {  	[sflag:s12] =	ssyncadd.s32 $0xFFFFFF80  }
0xc7: {  	_ =	swait.ge [sflag:s12], $0x80  }
0xc8: {  	[sflag:s12] =	ssyncset.done $0x0  }
0xc9: {  	[sflag:s12] =	ssyncadd.s32 $0xFFFFFF80  }
0xca: {  	_ =	swait.ge [sflag:s12], $0x80  }
0xcb: {  	[sflag:s12] =	ssyncset.done $0x0  }
0xcc: {  	[sflag:s12] =	ssyncadd.s32 $0xFFFFFF80  }
0xcd: {  	_ =	swait.ge [sflag:s12], $0x80  }
0xce: {  	[sflag:s12] =	ssyncset.done $0x0  }
0xcf: {  	[sflag:s12] =	ssyncadd.s32 $0xFFFFFF80  }
0xd0: {  	_ =	swait.ge [sflag:s12], $0x80  }
0xd1: {  	[sflag:s12] =	ssyncset.done $0x0  }
0xd2: {  	[sflag:s12] =	ssyncadd.s32 $0xFFFFFF80  }
0xd3: {  	_ =	swait.ge [sflag:s12], $0x80  }
0xd4: {  	[sflag:s12] =	ssyncset.done $0x0  }
0xd5: {  	[sflag:s12] =	ssyncadd.s32 $0xFFFFFF80  }
0xd6: {  	_ =	swait.ge [sflag:s12], $0x80  }
0xd7: {  	[sflag:s12] =	ssyncset.done $0x0  }
0xd8: {  	[sflag:s12] =	ssyncadd.s32 $0xFFFFFF80  }
0xd9: {  	_ =	swait.ge [sflag:s12], $0x80  }
0xda: {  	[sflag:s12] =	ssyncset.done $0x0  }
0xdb: {  	[sflag:s12] =	ssyncadd.s32 $0xFFFFFF80  }
0xdc: {  	_ =	swait.ge [sflag:s12], $0x80  }
0xdd: {  	[sflag:s12] =	ssyncset.done $0x0  }
0xde: {  	[sflag:s12] =	ssyncadd.s32 $0xFFFFFF80  }
0xdf: {  	_ =	swait.ge [sflag:s12], $0x80  }
0xe0: {  	[sflag:s12] =	ssyncset.done $0x0  }
0xe1: {  	[sflag:s12] =	ssyncadd.s32 $0xFFFFFF80  }
0xe2: {  	_ =	swait.ge [sflag:s12], $0x80  }
0xe3: {  	[sflag:s12] =	ssyncset.done $0x0  }
0xe4: {  	[sflag:s12] =	ssyncadd.s32 $0xFFFFFF80  }
0xe5: {  	[hbm4b:s5+s8] =	stream.strided.scatter [tilespmem:s10], [sflag:$0x2], $0x1000, s11, s8, $0x38;
	[tilespmem:$0x1D80] =	vst v63  }
0xe6: {  	s15 =	smov.u32 s5;
	s17 =	simm.s32 $0x1;
	_ =	swait.ge [sflag:s13], $0x1000  }
0xe7: {  	s16 =	sadd.s32 $0x61A80, s6;
	v1 =	vadd.s32 s17, v0;
	s20 =	simm.s32 $0x2;
	[sflag:s13] =	ssyncset.done $0x0  }
.LBB2_2:
0xe8: {  	_ =	sdelay $0x2  }
0xe9: {  	[sflag:s13] =	ssyncadd.s32 $0xFFFFF000  }
0xea: {  	s24 =	sadd.s32 $0x1A0, s17;
	v1 =	vld.idx.msk [tilespmem:v1+s1+$0x0], $0xffff  }
0xeb: {  	v2 =	vadd.s32 s24, v0;
	_ =	sdelay $0x3  }
0xec: {  	[tilespmem:$0xD00] =	vst v1  }
0xed: {  	s25 =	sadd.s32 $0x340, s17;
	v1 =	vld.idx.msk [tilespmem:v2+s1+$0x0], $0xffff  }
0xee: {  	v2 =	vadd.s32 s25, v0;
	_ =	sdelay $0x3  }
0xef: {  	[tilespmem:$0xD10] =	vst v1  }
0xf0: {  	s26 =	sadd.s32 $0x4E0, s17;
	v1 =	vld.idx.msk [tilespmem:v2+s1+$0x0], $0xffff  }
0xf1: {  	v2 =	vadd.s32 s26, v0;
	_ =	sdelay $0x3  }
0xf2: {  	[tilespmem:$0xD20] =	vst v1  }
0xf3: {  	s28 =	sadd.s32 $0x680, s17;
	v1 =	vld.idx.msk [tilespmem:v2+s1+$0x0], $0xffff  }
0xf4: {  	v2 =	vadd.s32 s28, v0;
	_ =	sdelay $0x3  }
0xf5: {  	[tilespmem:$0xD30] =	vst v1  }
0xf6: {  	s29 =	sadd.s32 $0x820, s17;
	v1 =	vld.idx.msk [tilespmem:v2+s1+$0x0], $0xffff  }
0xf7: {  	v2 =	vadd.s32 s29, v0;
	_ =	sdelay $0x3  }
0xf8: {  	[tilespmem:$0xD40] =	vst v1  }
0xf9: {  	s30 =	sadd.s32 $0x9C0, s17;
	v1 =	vld.idx.msk [tilespmem:v2+s1+$0x0], $0xffff  }
0xfa: {  	v2 =	vadd.s32 s30, v0;
	_ =	sdelay $0x3  }
0xfb: {  	[tilespmem:$0xD50] =	vst v1  }
0xfc: {  	s31 =	sadd.s32 $0xB60, s17;
	v1 =	vld.idx.msk [tilespmem:v2+s1+$0x0], $0xffff  }
0xfd: {  	v2 =	vadd.s32 s31, v0;
	_ =	sdelay $0x3  }
0xfe: {  	[tilespmem:$0xD60] =	vst v1  }
0xff: {  	v1 =	vld.idx.msk [tilespmem:v2+s1+$0x0], $0xffff;
	_ =	sdelay $0x4  }
0x100: {  	s21 =	sadd.s32 $0xFFFA1654, s16;
	[tilespmem:$0xD70] =	vst v1  }
0x101: {  	[tilespmem:s10], [sflag:$0x1] =	stream.indirect.gather [hbm4b:s21+s8], $0x1, s9, s8, $0xb8;
	[tilespmem:$0x1D80] =	vst v63  }
0x102: {  	s22 =	rddreg [dreg:$0x3];
	s23 =	sadd.s32 $0xFFFA4728, s16  }
0x103: {  	[tilespmem:s22], [sflag:$0x1] =	stream.indirect.gather [hbm4b:s23+s8], $0x1, s9, s8, $0xb8;
	[tilespmem:$0x1D80] =	vst v63  }
0x104: {  	s24 =	sadd.s32 $0xFFFA77FC, s16;
	s21 =	rddreg [dreg:$0x4]  }
0x105: {  	[tilespmem:s21], [sflag:$0x1] =	stream.indirect.gather [hbm4b:s24+s8], $0x1, s9, s8, $0xb8;
	[tilespmem:$0x1D80] =	vst v63  }
0x106: {  	s25 =	rddreg [dreg:$0x5];
	s26 =	sadd.s32 $0xFFFAA8D0, s16  }
0x107: {  	[tilespmem:s25], [sflag:$0x1] =	stream.indirect.gather [hbm4b:s26+s8], $0x1, s9, s8, $0xb8;
	[tilespmem:$0x1D80] =	vst v63  }
0x108: {  	s28 =	rddreg [dreg:$0x6];
	s29 =	sadd.s32 $0xFFFAD9A4, s16  }
0x109: {  	[tilespmem:s28], [sflag:$0x1] =	stream.indirect.gather [hbm4b:s29+s8], $0x1, s9, s8, $0xb8;
	[tilespmem:$0x1D80] =	vst v63  }
0x10a: {  	s30 =	sadd.s32 $0xFFFB0A78, s16;
	s31 =	rddreg [dreg:$0x7]  }
0x10b: {  	[tilespmem:s11], [sflag:$0x1] =	stream.indirect.gather [hbm4b:s30+s8], $0x1, s9, s8, $0xb8;
	[tilespmem:$0x1D80] =	vst v63  }
0x10c: {  	s22 =	rddreg [dreg:$0x8];
	s21 =	sadd.s32 $0xFFFB3B4C, s16  }
0x10d: {  	[tilespmem:s31], [sflag:$0x1] =	stream.indirect.gather [hbm4b:s21+s8], $0x1, s9, s8, $0xb8;
	[tilespmem:$0x1D80] =	vst v63  }
0x10e: {  	s23 =	sadd.s32 $0xFFFB6C20, s16;
	s24 =	rddreg [dreg:$0x9]  }
0x10f: {  	[tilespmem:s22], [sflag:$0x1] =	stream.indirect.gather [hbm4b:s23+s8], $0x1, s9, s8, $0xb8;
	[tilespmem:$0x1D80] =	vst v63  }
0x110: {  	s25 =	sadd.s32 $0xFFFB9CF4, s16;
	s26 =	rddreg [dreg:$0xa]  }
0x111: {  	[tilespmem:s24], [sflag:$0x1] =	stream.indirect.gather [hbm4b:s25+s8], $0x1, s9, s8, $0xb8;
	[tilespmem:$0x1D80] =	vst v63  }
0x112: {  	s19 =	smov.u32 s20;
	s28 =	sadd.s32 $0xFFFBCDC8, s16;
	s29 =	rddreg [dreg:$0xb]  }
0x113: {  	[tilespmem:s26], [sflag:$0x1] =	stream.indirect.gather [hbm4b:s28+s8], $0x1, s9, s8, $0xb8;
	[tilespmem:$0x1D80] =	vst v63  }
0x114: {  	s18 =	sadd.s32 $0x1, s20;
	s30 =	sadd.s32 $0xFFFBFE9C, s16;
	s31 =	rddreg [dreg:$0xc]  }
0x115: {  	[tilespmem:s29], [sflag:$0x1] =	stream.indirect.gather [hbm4b:s30+s8], $0x1, s9, s8, $0xb8;
	[tilespmem:$0x1D80] =	vst v63  }
0x116: {  	p0 =	sne.s32 s20, $0x19;
	s20 =	sadd.s32 $0xFFFC2F70, s16;
	s22 =	rddreg [dreg:$0xd]  }
0x117: {  	[tilespmem:s31], [sflag:$0x1] =	stream.indirect.gather [hbm4b:s20+s8], $0x1, s9, s8, $0xb8;
	[tilespmem:$0x1D80] =	vst v63  }
0x118: {  	s23 =	sadd.s32 $0xFFFC6044, s16;
	s24 =	rddreg [dreg:$0xe]  }
0x119: {  	[tilespmem:s22], [sflag:$0x1] =	stream.indirect.gather [hbm4b:s23+s8], $0x1, s9, s8, $0xb8;
	[tilespmem:$0x1D80] =	vst v63  }
0x11a: {  	s25 =	sadd.s32 $0xFFFC9118, s16;
	s26 =	rddreg [dreg:$0xf]  }
0x11b: {  	[tilespmem:s24], [sflag:$0x1] =	stream.indirect.gather [hbm4b:s25+s8], $0x1, s9, s8, $0xb8;
	[tilespmem:$0x1D80] =	vst v63  }
0x11c: {  	s28 =	sadd.s32 $0xFFFCC1EC, s16;
	s29 =	rddreg [dreg:$0x10]  }
0x11d: {  	[tilespmem:s26], [sflag:$0x1] =	stream.indirect.gather [hbm4b:s28+s8], $0x1, s9, s8, $0xb8;
	[tilespmem:$0x1D80] =	vst v63  }
0x11e: {  	s30 =	sadd.s32 $0xFFFCF2C0, s16;
	s31 =	rddreg [dreg:$0x11]  }
0x11f: {  	[tilespmem:s29], [sflag:$0x1] =	stream.indirect.gather [hbm4b:s30+s8], $0x1, s9, s8, $0xb8;
	[tilespmem:$0x1D80] =	vst v63  }
0x120: {  	s21 =	sadd.s32 $0xFFFD2394, s16;
	s22 =	rddreg [dreg:$0x12]  }
0x121: {  	[tilespmem:s31], [sflag:$0x1] =	stream.indirect.gather [hbm4b:s21+s8], $0x1, s9, s8, $0xb8;
	[tilespmem:$0x1D80] =	vst v63  }
0x122: {  	s23 =	sadd.s32 $0xFFFD5468, s16;
	s24 =	rddreg [dreg:$0x13]  }
0x123: {  	[tilespmem:s22], [sflag:$0x1] =	stream.indirect.gather [hbm4b:s23+s8], $0x1, s9, s8, $0xb8;
	[tilespmem:$0x1D80] =	vst v63  }
0x124: {  	s25 =	sadd.s32 $0xFFFD853C, s16;
	s26 =	rddreg [dreg:$0x14]  }
0x125: {  	[tilespmem:s24], [sflag:$0x1] =	stream.indirect.gather [hbm4b:s25+s8], $0x1, s9, s8, $0xb8;
	[tilespmem:$0x1D80] =	vst v63  }
0x126: {  	s28 =	sadd.s32 $0xFFFDB610, s16;
	s29 =	rddreg [dreg:$0x15]  }
0x127: {  	[tilespmem:s26], [sflag:$0x1] =	stream.indirect.gather [hbm4b:s28+s8], $0x1, s9, s8, $0xb8;
	[tilespmem:$0x1D80] =	vst v63  }
0x128: {  	s30 =	sadd.s32 $0xFFFDE6E4, s16;
	s31 =	rddreg [dreg:$0x16]  }
0x129: {  	[tilespmem:s29], [sflag:$0x1] =	stream.indirect.gather [hbm4b:s30+s8], $0x1, s9, s8, $0xb8;
	[tilespmem:$0x1D80] =	vst v63  }
0x12a: {  	s20 =	sadd.s32 $0xFFFE17B8, s16;
	s22 =	rddreg [dreg:$0x17]  }
0x12b: {  	[tilespmem:s31], [sflag:$0x1] =	stream.indirect.gather [hbm4b:s20+s8], $0x1, s9, s8, $0xb8;
	[tilespmem:$0x1D80] =	vst v63  }
0x12c: {  	s23 =	sadd.s32 $0xFFFE488C, s16;
	s24 =	rddreg [dreg:$0x18]  }
0x12d: {  	[tilespmem:s22], [sflag:$0x1] =	stream.indirect.gather [hbm4b:s23+s8], $0x1, s9, s8, $0xb8;
	[tilespmem:$0x1D80] =	vst v63  }
0x12e: {  	s25 =	sadd.s32 $0xFFFE7960, s16;
	s26 =	rddreg [dreg:$0x19]  }
0x12f: {  	[tilespmem:s24], [sflag:$0x1] =	stream.indirect.gather [hbm4b:s25+s8], $0x1, s9, s8, $0xb8;
	[tilespmem:$0x1D80] =	vst v63  }
0x130: {  	s28 =	sadd.s32 $0xFFFEAA34, s16;
	s29 =	rddreg [dreg:$0x1a]  }
0x131: {  	[tilespmem:s26], [sflag:$0x1] =	stream.indirect.gather [hbm4b:s28+s8], $0x1, s9, s8, $0xb8;
	[tilespmem:$0x1D80] =	vst v63  }
0x132: {  	s30 =	sadd.s32 $0xFFFEDB08, s16;
	s31 =	rddreg [dreg:$0x1b]  }
0x133: {  	[tilespmem:s29], [sflag:$0x1] =	stream.indirect.gather [hbm4b:s30+s8], $0x1, s9, s8, $0xb8;
	[tilespmem:$0x1D80] =	vst v63  }
0x134: {  	s21 =	sadd.s32 $0xFFFF0BDC, s16;
	s22 =	rddreg [dreg:$0x1c]  }
0x135: {  	[tilespmem:s31], [sflag:$0x1] =	stream.indirect.gather [hbm4b:s21+s8], $0x1, s9, s8, $0xb8;
	[tilespmem:$0x1D80] =	vst v63  }
0x136: {  	s23 =	sadd.s32 $0xFFFF3CB0, s16;
	s24 =	rddreg [dreg:$0x1d]  }
0x137: {  	[tilespmem:s22], [sflag:$0x1] =	stream.indirect.gather [hbm4b:s23+s8], $0x1, s9, s8, $0xb8;
	[tilespmem:$0x1D80] =	vst v63  }
0x138: {  	s25 =	sadd.s32 $0xFFFF6D84, s16;
	s26 =	rddreg [dreg:$0x1e]  }
0x139: {  	[tilespmem:s24], [sflag:$0x1] =	stream.indirect.gather [hbm4b:s25+s8], $0x1, s9, s8, $0xb8;
	[tilespmem:$0x1D80] =	vst v63  }
0x13a: {  	s28 =	sadd.s32 $0xFFFF9E58, s16;
	s29 =	rddreg [dreg:$0x1f]  }
0x13b: {  	[tilespmem:s26], [sflag:$0x1] =	stream.indirect.gather [hbm4b:s28+s8], $0x1, s9, s8, $0xb8;
	[tilespmem:$0x1D80] =	vst v63  }
0x13c: {  	s30 =	sadd.s32 $0xFFFFCF2C, s16;
	s31 =	sld [smem:$0x7FD]  }
0x13d: {  	[tilespmem:s29], [sflag:$0x1] =	stream.indirect.gather [hbm4b:s30+s8], $0x1, s9, s8, $0xb8;
	[tilespmem:$0x1D80] =	vst v63  }
0x13e: {  	_ = 	snop  }
0x13f: {  	[tilespmem:s31], [sflag:$0x1] =	stream.indirect.gather [hbm4b:s16+s8], $0x1, s9, s8, $0xb8;
	[tilespmem:$0x1D80] =	vst v63  }
0x140: {  	_ =	swait.ge [sflag:s12], $0x80  }
0x141: {  	[sflag:s12] =	ssyncset.done $0x0  }
0x142: {  	[sflag:s12] =	ssyncadd.s32 $0xFFFFFF80  }
0x143: {  	_ =	swait.ge [sflag:s12], $0x80  }
0x144: {  	[sflag:s12] =	ssyncset.done $0x0  }
0x145: {  	[sflag:s12] =	ssyncadd.s32 $0xFFFFFF80  }
0x146: {  	_ =	swait.ge [sflag:s12], $0x80  }
0x147: {  	[sflag:s12] =	ssyncset.done $0x0  }
0x148: {  	[sflag:s12] =	ssyncadd.s32 $0xFFFFFF80  }
0x149: {  	_ =	swait.ge [sflag:s12], $0x80  }
0x14a: {  	[sflag:s12] =	ssyncset.done $0x0  }
0x14b: {  	[sflag:s12] =	ssyncadd.s32 $0xFFFFFF80  }
0x14c: {  	_ =	swait.ge [sflag:s12], $0x80  }
0x14d: {  	[sflag:s12] =	ssyncset.done $0x0  }
0x14e: {  	[sflag:s12] =	ssyncadd.s32 $0xFFFFFF80  }
0x14f: {  	_ =	swait.ge [sflag:s12], $0x80  }
0x150: {  	[sflag:s12] =	ssyncset.done $0x0  }
0x151: {  	[sflag:s12] =	ssyncadd.s32 $0xFFFFFF80  }
0x152: {  	_ =	swait.ge [sflag:s12], $0x80  }
0x153: {  	[sflag:s12] =	ssyncset.done $0x0  }
0x154: {  	[sflag:s12] =	ssyncadd.s32 $0xFFFFFF80  }
0x155: {  	_ =	swait.ge [sflag:s12], $0x80  }
0x156: {  	[sflag:s12] =	ssyncset.done $0x0  }
0x157: {  	[sflag:s12] =	ssyncadd.s32 $0xFFFFFF80  }
0x158: {  	_ =	swait.ge [sflag:s12], $0x80  }
0x159: {  	[sflag:s12] =	ssyncset.done $0x0  }
0x15a: {  	[sflag:s12] =	ssyncadd.s32 $0xFFFFFF80  }
0x15b: {  	_ =	swait.ge [sflag:s12], $0x80  }
0x15c: {  	[sflag:s12] =	ssyncset.done $0x0  }
0x15d: {  	[sflag:s12] =	ssyncadd.s32 $0xFFFFFF80  }
0x15e: {  	_ =	swait.ge [sflag:s12], $0x80  }
0x15f: {  	[sflag:s12] =	ssyncset.done $0x0  }
0x160: {  	[sflag:s12] =	ssyncadd.s32 $0xFFFFFF80  }
0x161: {  	_ =	swait.ge [sflag:s12], $0x80  }
0x162: {  	[sflag:s12] =	ssyncset.done $0x0  }
0x163: {  	[sflag:s12] =	ssyncadd.s32 $0xFFFFFF80  }
0x164: {  	_ =	swait.ge [sflag:s12], $0x80  }
0x165: {  	[sflag:s12] =	ssyncset.done $0x0  }
0x166: {  	[sflag:s12] =	ssyncadd.s32 $0xFFFFFF80  }
0x167: {  	_ =	swait.ge [sflag:s12], $0x80  }
0x168: {  	[sflag:s12] =	ssyncset.done $0x0  }
0x169: {  	[sflag:s12] =	ssyncadd.s32 $0xFFFFFF80  }
0x16a: {  	_ =	swait.ge [sflag:s12], $0x80  }
0x16b: {  	[sflag:s12] =	ssyncset.done $0x0  }
0x16c: {  	[sflag:s12] =	ssyncadd.s32 $0xFFFFFF80  }
0x16d: {  	_ =	swait.ge [sflag:s12], $0x80  }
0x16e: {  	[sflag:s12] =	ssyncset.done $0x0  }
0x16f: {  	[sflag:s12] =	ssyncadd.s32 $0xFFFFFF80  }
0x170: {  	_ =	swait.ge [sflag:s12], $0x80  }
0x171: {  	[sflag:s12] =	ssyncset.done $0x0  }
0x172: {  	[sflag:s12] =	ssyncadd.s32 $0xFFFFFF80  }
0x173: {  	_ =	swait.ge [sflag:s12], $0x80  }
0x174: {  	[sflag:s12] =	ssyncset.done $0x0  }
0x175: {  	[sflag:s12] =	ssyncadd.s32 $0xFFFFFF80  }
0x176: {  	_ =	swait.ge [sflag:s12], $0x80  }
0x177: {  	[sflag:s12] =	ssyncset.done $0x0  }
0x178: {  	[sflag:s12] =	ssyncadd.s32 $0xFFFFFF80  }
0x179: {  	_ =	swait.ge [sflag:s12], $0x80  }
0x17a: {  	[sflag:s12] =	ssyncset.done $0x0  }
0x17b: {  	[sflag:s12] =	ssyncadd.s32 $0xFFFFFF80  }
0x17c: {  	_ =	swait.ge [sflag:s12], $0x80  }
0x17d: {  	[sflag:s12] =	ssyncset.done $0x0  }
0x17e: {  	[sflag:s12] =	ssyncadd.s32 $0xFFFFFF80  }
0x17f: {  	_ =	swait.ge [sflag:s12], $0x80  }
0x180: {  	[sflag:s12] =	ssyncset.done $0x0  }
0x181: {  	[sflag:s12] =	ssyncadd.s32 $0xFFFFFF80  }
0x182: {  	_ =	swait.ge [sflag:s12], $0x80  }
0x183: {  	[sflag:s12] =	ssyncset.done $0x0  }
0x184: {  	[sflag:s12] =	ssyncadd.s32 $0xFFFFFF80  }
0x185: {  	_ =	swait.ge [sflag:s12], $0x80  }
0x186: {  	[sflag:s12] =	ssyncset.done $0x0  }
0x187: {  	[sflag:s12] =	ssyncadd.s32 $0xFFFFFF80  }
0x188: {  	_ =	swait.ge [sflag:s12], $0x80  }
0x189: {  	[sflag:s12] =	ssyncset.done $0x0  }
0x18a: {  	[sflag:s12] =	ssyncadd.s32 $0xFFFFFF80  }
0x18b: {  	_ =	swait.ge [sflag:s12], $0x80  }
0x18c: {  	[sflag:s12] =	ssyncset.done $0x0  }
0x18d: {  	[sflag:s12] =	ssyncadd.s32 $0xFFFFFF80  }
0x18e: {  	_ =	swait.ge [sflag:s12], $0x80  }
0x18f: {  	[sflag:s12] =	ssyncset.done $0x0  }
0x190: {  	[sflag:s12] =	ssyncadd.s32 $0xFFFFFF80  }
0x191: {  	_ =	swait.ge [sflag:s12], $0x80  }
0x192: {  	[sflag:s12] =	ssyncset.done $0x0  }
0x193: {  	[sflag:s12] =	ssyncadd.s32 $0xFFFFFF80  }
0x194: {  	_ =	swait.ge [sflag:s12], $0x80  }
0x195: {  	[sflag:s12] =	ssyncset.done $0x0  }
0x196: {  	[sflag:s12] =	ssyncadd.s32 $0xFFFFFF80  }
0x197: {  	_ =	swait.ge [sflag:s12], $0x80  }
0x198: {  	[sflag:s12] =	ssyncset.done $0x0  }
0x199: {  	[sflag:s12] =	ssyncadd.s32 $0xFFFFFF80  }
0x19a: {  	_ =	swait.ge [sflag:s12], $0x80  }
0x19b: {  	[sflag:s12] =	ssyncset.done $0x0  }
0x19c: {  	[sflag:s12] =	ssyncadd.s32 $0xFFFFFF80  }
0x19d: {  	_ =	swait.ge [sflag:s12], $0x80  }
.Ltmp0:
0x19e: {  	[sflag:s12] =	ssyncset.done $0x0;
	(pc) =	sbr.rel @p0 .LBB2_2-.Ltmp0, $4  }
0x19f: {  	s15 =	sadd.s32 $0x4000, s15;
	[sflag:s12] =	ssyncadd.s32 $0xFFFFFF80  }
0x1a0: {  	[hbm4b:s15+s8] =	stream.strided.scatter [tilespmem:s10], [sflag:$0x2], $0x1000, s11, s8, $0x38;
	[tilespmem:$0x1D80] =	vst v63  }
0x1a1: {  	s17 =	smov.u32 s19;
	_ =	swait.ge [sflag:s13], $0x1000  }
0x1a2: {  	v1 =	vadd.s32 s17, v0;
	s20 =	smov.u32 s18;
	s16 =	sadd.s32 $0x61A80, s16;
	[sflag:s13] =	ssyncset.done $0x0  }
0x1a3: {  	_ =	sdelay $0x2  }
0x1a4: {  	[sflag:s13] =	ssyncadd.s32 $0xFFFFF000  }
0x1a5: {  	s18 =	sadd.s32 $0x1A0, s17;
	v1 =	vld.idx.msk [tilespmem:v1+s1+$0x0], $0xffff  }
0x1a6: {  	v2 =	vadd.s32 s18, v0;
	_ =	sdelay $0x3  }
0x1a7: {  	[tilespmem:$0xD00] =	vst v1  }
0x1a8: {  	s26 =	sadd.s32 $0x340, s17;
	v1 =	vld.idx.msk [tilespmem:v2+s1+$0x0], $0xffff  }
0x1a9: {  	v2 =	vadd.s32 s26, v0;
	_ =	sdelay $0x3  }
0x1aa: {  	[tilespmem:$0xD10] =	vst v1  }
0x1ab: {  	s28 =	sadd.s32 $0x4E0, s17;
	v1 =	vld.idx.msk [tilespmem:v2+s1+$0x0], $0xffff  }
0x1ac: {  	v2 =	vadd.s32 s28, v0;
	_ =	sdelay $0x3  }
0x1ad: {  	[tilespmem:$0xD20] =	vst v1  }
0x1ae: {  	s29 =	sadd.s32 $0x680, s17;
	v1 =	vld.idx.msk [tilespmem:v2+s1+$0x0], $0xffff  }
0x1af: {  	v2 =	vadd.s32 s29, v0;
	_ =	sdelay $0x3  }
0x1b0: {  	[tilespmem:$0xD30] =	vst v1  }
0x1b1: {  	s30 =	sadd.s32 $0x820, s17;
	v1 =	vld.idx.msk [tilespmem:v2+s1+$0x0], $0xffff  }
0x1b2: {  	v2 =	vadd.s32 s30, v0;
	_ =	sdelay $0x3  }
0x1b3: {  	[tilespmem:$0xD40] =	vst v1  }
0x1b4: {  	s31 =	sadd.s32 $0x9C0, s17;
	v1 =	vld.idx.msk [tilespmem:v2+s1+$0x0], $0xffff  }
0x1b5: {  	v2 =	vadd.s32 s31, v0;
	_ =	sdelay $0x3  }
0x1b6: {  	[tilespmem:$0xD50] =	vst v1  }
0x1b7: {  	s18 =	sadd.s32 $0xB60, s17;
	v1 =	vld.idx.msk [tilespmem:v2+s1+$0x0], $0xffff  }
0x1b8: {  	v2 =	vadd.s32 s18, v0;
	_ =	sdelay $0x3  }
0x1b9: {  	[tilespmem:$0xD60] =	vst v1  }
0x1ba: {  	v1 =	vld.idx.msk [tilespmem:v2+s1+$0x0], $0xffff;
	_ =	sdelay $0x4  }
0x1bb: {  	s19 =	sadd.s32 $0xFFFA1654, s16;
	[tilespmem:$0xD70] =	vst v1  }
0x1bc: {  	[tilespmem:s10], [sflag:$0x1] =	stream.indirect.gather [hbm4b:s19+s8], $0x1, s9, s8, $0xb8;
	[tilespmem:$0x1D80] =	vst v63  }
0x1bd: {  	s20 =	rddreg [dreg:$0x3];
	s21 =	sadd.s32 $0xFFFA4728, s16  }
0x1be: {  	[tilespmem:s20], [sflag:$0x1] =	stream.indirect.gather [hbm4b:s21+s8], $0x1, s9, s8, $0xb8;
	[tilespmem:$0x1D80] =	vst v63  }
0x1bf: {  	s22 =	sadd.s32 $0xFFFA77FC, s16;
	s19 =	rddreg [dreg:$0x4]  }
0x1c0: {  	[tilespmem:s19], [sflag:$0x1] =	stream.indirect.gather [hbm4b:s22+s8], $0x1, s9, s8, $0xb8;
	[tilespmem:$0x1D80] =	vst v63  }
0x1c1: {  	s23 =	rddreg [dreg:$0x5];
	s24 =	sadd.s32 $0xFFFAA8D0, s16  }
0x1c2: {  	[tilespmem:s23], [sflag:$0x1] =	stream.indirect.gather [hbm4b:s24+s8], $0x1, s9, s8, $0xb8;
	[tilespmem:$0x1D80] =	vst v63  }
0x1c3: {  	s25 =	rddreg [dreg:$0x6];
	s26 =	sadd.s32 $0xFFFAD9A4, s16  }
0x1c4: {  	[tilespmem:s25], [sflag:$0x1] =	stream.indirect.gather [hbm4b:s26+s8], $0x1, s9, s8, $0xb8;
	[tilespmem:$0x1D80] =	vst v63  }
0x1c5: {  	s28 =	sadd.s32 $0xFFFB0A78, s16;
	s29 =	rddreg [dreg:$0x7]  }
0x1c6: {  	[tilespmem:s11], [sflag:$0x1] =	stream.indirect.gather [hbm4b:s28+s8], $0x1, s9, s8, $0xb8;
	[tilespmem:$0x1D80] =	vst v63  }
0x1c7: {  	s30 =	sadd.s32 $0xFFFB3B4C, s16;
	s31 =	rddreg [dreg:$0x8]  }
0x1c8: {  	[tilespmem:s29], [sflag:$0x1] =	stream.indirect.gather [hbm4b:s30+s8], $0x1, s9, s8, $0xb8;
	[tilespmem:$0x1D80] =	vst v63  }
0x1c9: {  	s18 =	sadd.s32 $0xFFFB6C20, s16;
	s20 =	rddreg [dreg:$0x9]  }
0x1ca: {  	[tilespmem:s31], [sflag:$0x1] =	stream.indirect.gather [hbm4b:s18+s8], $0x1, s9, s8, $0xb8;
	[tilespmem:$0x1D80] =	vst v63  }
0x1cb: {  	s21 =	sadd.s32 $0xFFFB9CF4, s16;
	s22 =	rddreg [dreg:$0xa]  }
0x1cc: {  	[tilespmem:s20], [sflag:$0x1] =	stream.indirect.gather [hbm4b:s21+s8], $0x1, s9, s8, $0xb8;
	[tilespmem:$0x1D80] =	vst v63  }
0x1cd: {  	s23 =	sadd.s32 $0xFFFBCDC8, s16;
	s24 =	rddreg [dreg:$0xb]  }
0x1ce: {  	[tilespmem:s22], [sflag:$0x1] =	stream.indirect.gather [hbm4b:s23+s8], $0x1, s9, s8, $0xb8;
	[tilespmem:$0x1D80] =	vst v63  }
0x1cf: {  	s25 =	sadd.s32 $0xFFFBFE9C, s16;
	s26 =	rddreg [dreg:$0xc]  }
0x1d0: {  	[tilespmem:s24], [sflag:$0x1] =	stream.indirect.gather [hbm4b:s25+s8], $0x1, s9, s8, $0xb8;
	[tilespmem:$0x1D80] =	vst v63  }
0x1d1: {  	s28 =	sadd.s32 $0xFFFC2F70, s16;
	s29 =	rddreg [dreg:$0xd]  }
0x1d2: {  	[tilespmem:s26], [sflag:$0x1] =	stream.indirect.gather [hbm4b:s28+s8], $0x1, s9, s8, $0xb8;
	[tilespmem:$0x1D80] =	vst v63  }
0x1d3: {  	s30 =	sadd.s32 $0xFFFC6044, s16;
	s31 =	rddreg [dreg:$0xe]  }
0x1d4: {  	[tilespmem:s29], [sflag:$0x1] =	stream.indirect.gather [hbm4b:s30+s8], $0x1, s9, s8, $0xb8;
	[tilespmem:$0x1D80] =	vst v63  }
0x1d5: {  	s18 =	sadd.s32 $0xFFFC9118, s16;
	s20 =	rddreg [dreg:$0xf]  }
0x1d6: {  	[tilespmem:s31], [sflag:$0x1] =	stream.indirect.gather [hbm4b:s18+s8], $0x1, s9, s8, $0xb8;
	[tilespmem:$0x1D80] =	vst v63  }
0x1d7: {  	s21 =	sadd.s32 $0xFFFCC1EC, s16;
	s22 =	rddreg [dreg:$0x10]  }
0x1d8: {  	[tilespmem:s20], [sflag:$0x1] =	stream.indirect.gather [hbm4b:s21+s8], $0x1, s9, s8, $0xb8;
	[tilespmem:$0x1D80] =	vst v63  }
0x1d9: {  	s23 =	sadd.s32 $0xFFFCF2C0, s16;
	s24 =	rddreg [dreg:$0x11]  }
0x1da: {  	[tilespmem:s22], [sflag:$0x1] =	stream.indirect.gather [hbm4b:s23+s8], $0x1, s9, s8, $0xb8;
	[tilespmem:$0x1D80] =	vst v63  }
0x1db: {  	s25 =	sadd.s32 $0xFFFD2394, s16;
	s26 =	rddreg [dreg:$0x12]  }
0x1dc: {  	[tilespmem:s24], [sflag:$0x1] =	stream.indirect.gather [hbm4b:s25+s8], $0x1, s9, s8, $0xb8;
	[tilespmem:$0x1D80] =	vst v63  }
0x1dd: {  	s28 =	sadd.s32 $0xFFFD5468, s16;
	s29 =	rddreg [dreg:$0x13]  }
0x1de: {  	[tilespmem:s26], [sflag:$0x1] =	stream.indirect.gather [hbm4b:s28+s8], $0x1, s9, s8, $0xb8;
	[tilespmem:$0x1D80] =	vst v63  }
0x1df: {  	s30 =	sadd.s32 $0xFFFD853C, s16;
	s31 =	rddreg [dreg:$0x14]  }
0x1e0: {  	[tilespmem:s29], [sflag:$0x1] =	stream.indirect.gather [hbm4b:s30+s8], $0x1, s9, s8, $0xb8;
	[tilespmem:$0x1D80] =	vst v63  }
0x1e1: {  	s18 =	sadd.s32 $0xFFFDB610, s16;
	s20 =	rddreg [dreg:$0x15]  }
0x1e2: {  	[tilespmem:s31], [sflag:$0x1] =	stream.indirect.gather [hbm4b:s18+s8], $0x1, s9, s8, $0xb8;
	[tilespmem:$0x1D80] =	vst v63  }
0x1e3: {  	s21 =	sadd.s32 $0xFFFDE6E4, s16;
	s22 =	rddreg [dreg:$0x16]  }
0x1e4: {  	[tilespmem:s20], [sflag:$0x1] =	stream.indirect.gather [hbm4b:s21+s8], $0x1, s9, s8, $0xb8;
	[tilespmem:$0x1D80] =	vst v63  }
0x1e5: {  	s23 =	sadd.s32 $0xFFFE17B8, s16;
	s24 =	rddreg [dreg:$0x17]  }
0x1e6: {  	[tilespmem:s22], [sflag:$0x1] =	stream.indirect.gather [hbm4b:s23+s8], $0x1, s9, s8, $0xb8;
	[tilespmem:$0x1D80] =	vst v63  }
0x1e7: {  	s25 =	sadd.s32 $0xFFFE488C, s16;
	s26 =	rddreg [dreg:$0x18]  }
0x1e8: {  	[tilespmem:s24], [sflag:$0x1] =	stream.indirect.gather [hbm4b:s25+s8], $0x1, s9, s8, $0xb8;
	[tilespmem:$0x1D80] =	vst v63  }
0x1e9: {  	s28 =	sadd.s32 $0xFFFE7960, s16;
	s29 =	rddreg [dreg:$0x19]  }
0x1ea: {  	[tilespmem:s26], [sflag:$0x1] =	stream.indirect.gather [hbm4b:s28+s8], $0x1, s9, s8, $0xb8;
	[tilespmem:$0x1D80] =	vst v63  }
0x1eb: {  	s30 =	sadd.s32 $0xFFFEAA34, s16;
	s31 =	rddreg [dreg:$0x1a]  }
0x1ec: {  	[tilespmem:s29], [sflag:$0x1] =	stream.indirect.gather [hbm4b:s30+s8], $0x1, s9, s8, $0xb8;
	[tilespmem:$0x1D80] =	vst v63  }
0x1ed: {  	s18 =	sadd.s32 $0xFFFEDB08, s16;
	s20 =	rddreg [dreg:$0x1b]  }
0x1ee: {  	[tilespmem:s31], [sflag:$0x1] =	stream.indirect.gather [hbm4b:s18+s8], $0x1, s9, s8, $0xb8;
	[tilespmem:$0x1D80] =	vst v63  }
0x1ef: {  	s21 =	sadd.s32 $0xFFFF0BDC, s16;
	s22 =	rddreg [dreg:$0x1c]  }
0x1f0: {  	[tilespmem:s20], [sflag:$0x1] =	stream.indirect.gather [hbm4b:s21+s8], $0x1, s9, s8, $0xb8;
	[tilespmem:$0x1D80] =	vst v63  }
0x1f1: {  	s23 =	sadd.s32 $0xFFFF3CB0, s16;
	s24 =	rddreg [dreg:$0x1d]  }
0x1f2: {  	[tilespmem:s22], [sflag:$0x1] =	stream.indirect.gather [hbm4b:s23+s8], $0x1, s9, s8, $0xb8;
	[tilespmem:$0x1D80] =	vst v63  }
0x1f3: {  	s25 =	sadd.s32 $0xFFFF6D84, s16;
	s26 =	rddreg [dreg:$0x1e]  }
0x1f4: {  	[tilespmem:s24], [sflag:$0x1] =	stream.indirect.gather [hbm4b:s25+s8], $0x1, s9, s8, $0xb8;
	[tilespmem:$0x1D80] =	vst v63  }
0x1f5: {  	s28 =	sadd.s32 $0xFFFF9E58, s16;
	s29 =	rddreg [dreg:$0x1f]  }
0x1f6: {  	[tilespmem:s26], [sflag:$0x1] =	stream.indirect.gather [hbm4b:s28+s8], $0x1, s9, s8, $0xb8;
	[tilespmem:$0x1D80] =	vst v63  }
0x1f7: {  	s30 =	sadd.s32 $0xFFFFCF2C, s16;
	s31 =	sld [smem:$0x7FD]  }
0x1f8: {  	[tilespmem:s29], [sflag:$0x1] =	stream.indirect.gather [hbm4b:s30+s8], $0x1, s9, s8, $0xb8;
	[tilespmem:$0x1D80] =	vst v63  }
0x1f9: {  	_ = 	snop  }
0x1fa: {  	[tilespmem:s31], [sflag:$0x1] =	stream.indirect.gather [hbm4b:s16+s8], $0x1, s9, s8, $0xb8;
	[tilespmem:$0x1D80] =	vst v63  }
0x1fb: {  	_ =	swait.ge [sflag:s12], $0x80  }
0x1fc: {  	[sflag:s12] =	ssyncset.done $0x0  }
0x1fd: {  	[sflag:s12] =	ssyncadd.s32 $0xFFFFFF80  }
0x1fe: {  	_ =	swait.ge [sflag:s12], $0x80  }
0x1ff: {  	[sflag:s12] =	ssyncset.done $0x0  }
0x200: {  	[sflag:s12] =	ssyncadd.s32 $0xFFFFFF80  }
0x201: {  	_ =	swait.ge [sflag:s12], $0x80  }
0x202: {  	[sflag:s12] =	ssyncset.done $0x0  }
0x203: {  	[sflag:s12] =	ssyncadd.s32 $0xFFFFFF80  }
0x204: {  	_ =	swait.ge [sflag:s12], $0x80  }
0x205: {  	[sflag:s12] =	ssyncset.done $0x0  }
0x206: {  	[sflag:s12] =	ssyncadd.s32 $0xFFFFFF80  }
0x207: {  	_ =	swait.ge [sflag:s12], $0x80  }
0x208: {  	[sflag:s12] =	ssyncset.done $0x0  }
0x209: {  	[sflag:s12] =	ssyncadd.s32 $0xFFFFFF80  }
0x20a: {  	_ =	swait.ge [sflag:s12], $0x80  }
0x20b: {  	[sflag:s12] =	ssyncset.done $0x0  }
0x20c: {  	[sflag:s12] =	ssyncadd.s32 $0xFFFFFF80  }
0x20d: {  	_ =	swait.ge [sflag:s12], $0x80  }
0x20e: {  	[sflag:s12] =	ssyncset.done $0x0  }
0x20f: {  	[sflag:s12] =	ssyncadd.s32 $0xFFFFFF80  }
0x210: {  	_ =	swait.ge [sflag:s12], $0x80  }
0x211: {  	[sflag:s12] =	ssyncset.done $0x0  }
0x212: {  	[sflag:s12] =	ssyncadd.s32 $0xFFFFFF80  }
0x213: {  	_ =	swait.ge [sflag:s12], $0x80  }
0x214: {  	[sflag:s12] =	ssyncset.done $0x0  }
0x215: {  	[sflag:s12] =	ssyncadd.s32 $0xFFFFFF80  }
0x216: {  	_ =	swait.ge [sflag:s12], $0x80  }
0x217: {  	[sflag:s12] =	ssyncset.done $0x0  }
0x218: {  	[sflag:s12] =	ssyncadd.s32 $0xFFFFFF80  }
0x219: {  	_ =	swait.ge [sflag:s12], $0x80  }
0x21a: {  	[sflag:s12] =	ssyncset.done $0x0  }
0x21b: {  	[sflag:s12] =	ssyncadd.s32 $0xFFFFFF80  }
0x21c: {  	_ =	swait.ge [sflag:s12], $0x80  }
0x21d: {  	[sflag:s12] =	ssyncset.done $0x0  }
0x21e: {  	[sflag:s12] =	ssyncadd.s32 $0xFFFFFF80  }
0x21f: {  	_ =	swait.ge [sflag:s12], $0x80  }
0x220: {  	[sflag:s12] =	ssyncset.done $0x0  }
0x221: {  	[sflag:s12] =	ssyncadd.s32 $0xFFFFFF80  }
0x222: {  	_ =	swait.ge [sflag:s12], $0x80  }
0x223: {  	[sflag:s12] =	ssyncset.done $0x0  }
0x224: {  	[sflag:s12] =	ssyncadd.s32 $0xFFFFFF80  }
0x225: {  	_ =	swait.ge [sflag:s12], $0x80  }
0x226: {  	[sflag:s12] =	ssyncset.done $0x0  }
0x227: {  	[sflag:s12] =	ssyncadd.s32 $0xFFFFFF80  }
0x228: {  	_ =	swait.ge [sflag:s12], $0x80  }
0x229: {  	[sflag:s12] =	ssyncset.done $0x0  }
0x22a: {  	[sflag:s12] =	ssyncadd.s32 $0xFFFFFF80  }
0x22b: {  	_ =	swait.ge [sflag:s12], $0x80  }
0x22c: {  	[sflag:s12] =	ssyncset.done $0x0  }
0x22d: {  	[sflag:s12] =	ssyncadd.s32 $0xFFFFFF80  }
0x22e: {  	_ =	swait.ge [sflag:s12], $0x80  }
0x22f: {  	[sflag:s12] =	ssyncset.done $0x0  }
0x230: {  	[sflag:s12] =	ssyncadd.s32 $0xFFFFFF80  }
0x231: {  	_ =	swait.ge [sflag:s12], $0x80  }
0x232: {  	[sflag:s12] =	ssyncset.done $0x0  }
0x233: {  	[sflag:s12] =	ssyncadd.s32 $0xFFFFFF80  }
0x234: {  	_ =	swait.ge [sflag:s12], $0x80  }
0x235: {  	[sflag:s12] =	ssyncset.done $0x0  }
0x236: {  	[sflag:s12] =	ssyncadd.s32 $0xFFFFFF80  }
0x237: {  	_ =	swait.ge [sflag:s12], $0x80  }
0x238: {  	[sflag:s12] =	ssyncset.done $0x0  }
0x239: {  	[sflag:s12] =	ssyncadd.s32 $0xFFFFFF80  }
0x23a: {  	_ =	swait.ge [sflag:s12], $0x80  }
0x23b: {  	[sflag:s12] =	ssyncset.done $0x0  }
0x23c: {  	[sflag:s12] =	ssyncadd.s32 $0xFFFFFF80  }
0x23d: {  	_ =	swait.ge [sflag:s12], $0x80  }
0x23e: {  	[sflag:s12] =	ssyncset.done $0x0  }
0x23f: {  	[sflag:s12] =	ssyncadd.s32 $0xFFFFFF80  }
0x240: {  	_ =	swait.ge [sflag:s12], $0x80  }
0x241: {  	[sflag:s12] =	ssyncset.done $0x0  }
0x242: {  	[sflag:s12] =	ssyncadd.s32 $0xFFFFFF80  }
0x243: {  	_ =	swait.ge [sflag:s12], $0x80  }
0x244: {  	[sflag:s12] =	ssyncset.done $0x0  }
0x245: {  	[sflag:s12] =	ssyncadd.s32 $0xFFFFFF80  }
0x246: {  	_ =	swait.ge [sflag:s12], $0x80  }
0x247: {  	[sflag:s12] =	ssyncset.done $0x0  }
0x248: {  	[sflag:s12] =	ssyncadd.s32 $0xFFFFFF80  }
0x249: {  	_ =	swait.ge [sflag:s12], $0x80  }
0x24a: {  	[sflag:s12] =	ssyncset.done $0x0  }
0x24b: {  	[sflag:s12] =	ssyncadd.s32 $0xFFFFFF80  }
0x24c: {  	_ =	swait.ge [sflag:s12], $0x80  }
0x24d: {  	[sflag:s12] =	ssyncset.done $0x0  }
0x24e: {  	[sflag:s12] =	ssyncadd.s32 $0xFFFFFF80  }
0x24f: {  	_ =	swait.ge [sflag:s12], $0x80  }
0x250: {  	[sflag:s12] =	ssyncset.done $0x0  }
0x251: {  	[sflag:s12] =	ssyncadd.s32 $0xFFFFFF80  }
0x252: {  	_ =	swait.ge [sflag:s12], $0x80  }
0x253: {  	[sflag:s12] =	ssyncset.done $0x0  }
0x254: {  	[sflag:s12] =	ssyncadd.s32 $0xFFFFFF80  }
0x255: {  	_ =	swait.ge [sflag:s12], $0x80  }
0x256: {  	[sflag:s12] =	ssyncset.done $0x0  }
0x257: {  	[sflag:s12] =	ssyncadd.s32 $0xFFFFFF80  }
0x258: {  	s14 =	sadd.s32 $0x1, s14;
	_ =	swait.ge [sflag:s12], $0x80  }
0x259: {  	p0 =	sne.s32 s14, s4;
	[sflag:s12] =	ssyncset.done $0x0  }
.Ltmp1:
0x25a: {  	s15 =	sadd.s32 $0x4000, s15;
	[sflag:s12] =	ssyncadd.s32 $0xFFFFFF80;
	(pc) =	sbr.rel @p0 .LBB2_1-.Ltmp1, $4  }
0x25b: {  	[hbm4b:s15+s8] =	stream.strided.scatter [tilespmem:s10], [sflag:$0x2], $0x1000, s11, s8, $0x38;
	[tilespmem:$0x1D80] =	vst v63  }
0x25c: {  	_ =	swait.ge [sflag:s13], $0x1000  }
0x25d: {  	[sflag:s13] =	ssyncset.done $0x0  }
0x25e: {  	[sflag:s13] =	ssyncadd.s32 $0xFFFFF000  }
0x25f: {  	_ =	sfence.sel $0x180000  }
0x260: {  	[bflag:$0x0] =	sbarrier.arrive $0xFFFF  }
0x261: {  	p0 =	sne.s32 s2, $0x0;
	_ =	strace $0x90000047  }
0x262: {  	s0 =	sadd.s32 @!p0 $0x100000, s0;
	[bflag:$0x2] =	sbarrier.arrive $0xFFFF  }
0x263: {  	[sflag:s0] =	ssyncadd.tile.s32 @!p0 $0x1;
	_ =	shalt  }
.Lfunc_end2:
_tile_overlayer_lowered:
.L_overlay_start_2:
0x264: {  	(tag) =	ssettag $0x2  }
0x265: {  	s0 =	rddreg [dreg:$0x0];
	s2 =	stileid.u32  }
0x266: {  	s1 =	rddreg [dreg:$0x1];
	p0 =	sne.s32 s2, $0x0  }
0x267: {  	s3 =	rddreg [dreg:$0x2];
	[bflag:$0x3] =	sbarrier.arrive $0xFFFF;
	s2 =	simm.s32 @!p0 $0x1C03  }
0x268: {  	[timem:s3], [sflag:s2] =	dma.local @!p0 [hbm:s0], s1  }
0x269: {  	s0 =	simm.s32 @!p0 $0x3  }
0x26a: {  	_ =	swait.ge @!p0 [sflag:s0], s1  }
0x26b: {  	s1 =	ssub.s32 @!p0 $0x0, s1;
	[sflag:s0] =	ssyncset.done @!p0 $0x0  }
0x26c: {  	[sflag:s0] =	ssyncadd.s32 @!p0 s1  }
0x26d: {  	[bflag:$0x3] =	sbarrier.arrive $0xFFFF  }
0x26e: {  	_ =	shalt  }

</sc_bundles>
